<compile_context>
chip_gen: v7x
topology: tpu7x:2x2x1
jax: 0.10.2.dev20260603
libtpu: 0.0.44.dev20260713+nightly
codegen_flags: <defaults>
</compile_context>

<pallas_src>
import functools

import jax
import jax.numpy as jnp
from jax import lax
from jax.experimental import pallas as pl
from jax.experimental.pallas import tpu as pltpu
from jax.experimental.pallas import tpu_sc as plsc

_B = 16384
_D = 100
_DP = 128
_N = 1000000
_NC = 2
_NS = 16
_NW = _NC * _NS
_BPW = _B // _NW
_SPT = _B // _NS
_ES = 10
_MOM = 0.9


def _sc_scatter_body(idx_hbm, pos_hbm, post, sidx2, spos2, sem_s):
    c = lax.axis_index("c")
    s = lax.axis_index("s")
    wid = s * _NC + c
    base = wid * _BPW
    for k in range(_BPW // 128):
        pltpu.sync_copy(idx_hbm.at[pl.ds(base + k * 128, 128)],
                        sidx2.at[k])
        pltpu.sync_copy(pos_hbm.at[pl.ds(base + k * 128, 128)],
                        spos2.at[k])
    scps = [
        pltpu.async_copy(spos2.at[k], post.at[sidx2.at[k]], sem_s)
        for k in range(_BPW // 128)
    ]
    for cp in scps:
        cp.wait()


def _sc_scatter(index, pos):
    fn = pl.kernel(
        _sc_scatter_body,
        out_type=jax.ShapeDtypeStruct((_N,), jnp.int32),
        mesh=plsc.VectorSubcoreMesh(
            core_axis_name="c", subcore_axis_name="s",
            num_cores=_NC, num_subcores=_NS,
        ),
        scratch_types=[
            pltpu.VMEM((_BPW // 128, 128), jnp.int32),
            pltpu.VMEM((_BPW // 128, 128), jnp.int32),
            pltpu.SemaphoreType.DMA,
        ],
    )
    return fn(index, pos)


def _sc_body(slp, lgp, idx_hbm, post,
             g_out, l2_out,
             idx_v, oidx2, w2, w_v, rowbuf,
             sem_s, sem_g):
    c = lax.axis_index("c")
    s = lax.axis_index("s")
    wid = s * _NC + c
    base = wid * _BPW

    pltpu.sync_copy(idx_hbm.at[pl.ds(base, _BPW)], idx_v)

    gcp = pltpu.async_copy(slp.at[idx_v], rowbuf, sem_g)

    for k in range(_BPW // 128):
        pltpu.sync_copy(idx_hbm.at[pl.ds(base + k * 128, 128)],
                        oidx2.at[k])
    wcps = [
        pltpu.async_copy(post.at[oidx2.at[k]], w2.at[k], sem_s)
        for k in range(_BPW // 128)
    ]
    for cp in wcps:
        cp.wait()
    for k in range(_BPW // 128):
        for j in range(8):
            v = w2[k, pl.ds(j * 16, 16)]
            w_v[pl.ds(k * 128 + j * 16, 16)] = jnp.clip(v, 0, _B - 1)

    gcp.wait()
    pltpu.sync_copy(rowbuf, g_out.at[pl.ds(base, _BPW)])

    pltpu.async_copy(lgp.at[w_v], rowbuf, sem_g).wait()
    pltpu.sync_copy(rowbuf, l2_out.at[pl.ds(base, _BPW)])


def _sc_gather(slp, lgp, index, post):
    fn = pl.kernel(
        _sc_body,
        out_type=[
            jax.ShapeDtypeStruct((_B, _DP), jnp.float32),
            jax.ShapeDtypeStruct((_B, _DP), jnp.float32),
        ],
        mesh=plsc.VectorSubcoreMesh(
            core_axis_name="c", subcore_axis_name="s",
            num_cores=_NC, num_subcores=_NS,
        ),
        scratch_types=[
            pltpu.VMEM((_BPW,), jnp.int32),
            pltpu.VMEM((_BPW // 128, 128), jnp.int32),
            pltpu.VMEM((_BPW // 128, 128), jnp.int32),
            pltpu.VMEM((_BPW,), jnp.int32),
            pltpu.VMEM((_BPW, _DP), jnp.float32),
            pltpu.SemaphoreType.DMA,
            pltpu.SemaphoreType.DMA,
        ],
    )
    return fn(slp, lgp, index, post)


_BK = 16384


def _tp_body(x_ref, o_ref):
    o_ref[:, 0:_D] = jnp.swapaxes(x_ref[...], 0, 1)


def _tc_transpad(stv):
    nblk = (_N + _BK - 1) // _BK
    return pl.pallas_call(
        _tp_body,
        grid=(nblk,),
        in_specs=[pl.BlockSpec((_D, _BK), lambda b: (0, b))],
        out_specs=pl.BlockSpec((_BK, _DP), lambda b: (b, 0)),
        out_shape=jax.ShapeDtypeStruct((_N, _DP), jnp.float32),
    )(stv)


_BT = 4096
_NB = _B // _BT
_NEG = -1e30


def _tc_loss_body(x_ref, g_ref, l2_ref, lbl_ref, ce_ref, selc_ref):
    b = pl.program_id(0)
    cols = lax.broadcasted_iota(jnp.int32, (_BT, _DP), 1)
    valid = cols < _D
    x = jnp.where(valid, x_ref[...], _NEG)
    m = jnp.max(x, axis=1, keepdims=True)
    ex = jnp.where(valid, jnp.exp(x - m), 0.0)
    s = jnp.sum(ex, axis=1, keepdims=True)
    lse = m + jnp.log(s)
    l2 = jnp.where(valid, l2_ref[...], _NEG)
    m2 = jnp.max(l2, axis=1, keepdims=True)
    e2 = jnp.where(valid, jnp.exp(l2 - m2), 0.0)
    p2 = e2 / jnp.sum(e2, axis=1, keepdims=True)
    tgt = _MOM * g_ref[...] + (1.0 - _MOM) * p2
    lpt = jnp.where(valid, (x - lse) * tgt, 0.0)
    selc_part = -jnp.sum(lpt)
    lbl = lbl_ref[0, 0, :]
    picked = jnp.sum(jnp.where(cols == lbl[:, None], x - lse, 0.0))

    @pl.when(b == 0)
    def _():
        ce_ref[...] = jnp.zeros((1, 1), jnp.float32)
        selc_ref[...] = jnp.zeros((1, 1), jnp.float32)

    ce_ref[...] += jnp.full((1, 1), -picked)
    selc_ref[...] += jnp.full((1, 1), selc_part)


def _tc_loss(lgp, g, l2, labels):
    lbl3 = labels.astype(jnp.int32).reshape(_NB, 1, _BT)
    ce_sum, selc_sum = pl.pallas_call(
        _tc_loss_body,
        grid=(_NB,),
        in_specs=[
            pl.BlockSpec((_BT, _DP), lambda b: (b, 0)),
            pl.BlockSpec((_BT, _DP), lambda b: (b, 0)),
            pl.BlockSpec((_BT, _DP), lambda b: (b, 0)),
            pl.BlockSpec((1, 1, _BT), lambda b: (b, 0, 0)),
        ],
        out_specs=[
            pl.BlockSpec((1, 1), lambda b: (0, 0)),
            pl.BlockSpec((1, 1), lambda b: (0, 0)),
        ],
        out_shape=[
            jax.ShapeDtypeStruct((1, 1), jnp.float32),
            jax.ShapeDtypeStruct((1, 1), jnp.float32),
        ],
    )(lgp, g, l2, lbl3)
    return ce_sum[0, 0], selc_sum[0, 0]


def kernel(logits, soft_labels, labels, index, epoch):
    slp = _tc_transpad(jnp.swapaxes(soft_labels, 0, 1))
    lgp = jnp.pad(logits, ((0, 0), (0, _DP - _D)))
    pos = jnp.arange(_B, dtype=jnp.int32)
    idx32 = index.astype(jnp.int32)
    post = _sc_scatter(idx32, pos)
    g, l2 = _sc_gather(slp, lgp, idx32, post)
    ce_sum, selc_sum = _tc_loss(lgp, g, l2, labels)
    ce = ce_sum / _B
    selc = selc_sum / _B
    return jnp.where(epoch <= _ES, ce, selc)

# --- scband reference (transcript-rebuilt; emitter-appended) ---
"""Pipeline reference for scband-selcloss-76596446757184 (READ-ONLY COPY).

The authoritative reference and input builder live on the scoring server;
editing this copy changes nothing except your own understanding.
"""

import jax, jax.numpy as jnp
import numpy as np

DATASET = 1000000
NUM_CLASSES = 100
BATCH = 16384


def setup_inputs(seed: int = 0) -> dict:
    key = jax.random.key(seed)
    k1, k2, k3, k4 = jax.random.split(key, 4)
    logits = jax.random.normal(k1, (BATCH, NUM_CLASSES), dtype=jnp.float32)
    labels = jax.random.randint(k2, (BATCH,), 0, NUM_CLASSES)
    index = jax.random.randint(k3, (BATCH,), 0, DATASET)
    # Persistent soft-label memory initialized as one-hot of the (noisy) dataset labels,
    # exactly as in SELCLoss.__init__.
    init_labels = jax.random.randint(k4, (DATASET,), 0, NUM_CLASSES)
    soft_labels = jax.nn.one_hot(init_labels, NUM_CLASSES, dtype=jnp.float32)
    epoch = 20  # > es=10, exercises the scatter-memory branch
    return {"logits": logits, "soft_labels": soft_labels, "labels": labels, "index": index, "epoch": epoch}


def reference(logits, soft_labels, labels, index, epoch):
    es = 10
    momentum = 0.9
    # standard cross-entropy (mean reduction)
    logp = jax.nn.log_softmax(logits, axis=1)
    nll = -jnp.take_along_axis(logp, labels[:, None], axis=1).squeeze(1)
    ce_loss = nll.mean()
    # detached softmax predictions
    pred_detach = jax.nn.softmax(jax.lax.stop_gradient(logits), axis=1)
    # gather current soft labels for this batch, EMA update, scatter back (overwrite)
    gathered = soft_labels[index]
    updated = momentum * gathered + (1.0 - momentum) * pred_detach
    soft_labels = soft_labels.at[index].set(updated)
    # gather-after-write, as in the torch module; buffer carries no gradient
    target = jax.lax.stop_gradient(soft_labels[index])
    pred = jax.nn.log_softmax(logits, axis=1)
    selc_loss = -jnp.sum(pred * target, axis=1)
    return jnp.where(epoch <= es, ce_loss, selc_loss.mean())

if __name__ == "__main__":
    import jax
    _d = setup_inputs()
    print(jax.jit(kernel)(*tuple(_d.values())))

</pallas_src>

<mosaic_0001>
#map = affine_map<(d0, d1) -> (0, 0)>
#map1 = affine_map<(d0, d1) -> (0)>
module attributes {stable_mosaic.version = 14 : i64} {
  func.func @_sc_body(%arg0: i32, %arg1: i32, %arg2: memref<1000000x128xf32, #tpu.memory_space<hbm>>, %arg3: memref<16384x128xf32, #tpu.memory_space<hbm>>, %arg4: memref<16384xi32, #tpu.memory_space<hbm>>, %arg5: memref<1000000xi32, #tpu.memory_space<hbm>>, %arg6: memref<16384x128xf32, #tpu.memory_space<hbm>>, %arg7: memref<16384x128xf32, #tpu.memory_space<hbm>>, %arg8: memref<512xi32, #tpu.memory_space<vmem>>, %arg9: memref<4x128xi32, #tpu.memory_space<vmem>>, %arg10: memref<4x128xi32, #tpu.memory_space<vmem>>, %arg11: memref<512xi32, #tpu.memory_space<vmem>>, %arg12: memref<512x128xf32, #tpu.memory_space<vmem>>, %arg13: memref<!tpu.dma_semaphore, #tpu.memory_space<semaphore_mem>>, %arg14: memref<!tpu.dma_semaphore, #tpu.memory_space<semaphore_mem>>) attributes {dimension_semantics = [#tpu.dimension_semantics<core_parallel>, #tpu.dimension_semantics<subcore_parallel>], iteration_bounds = array<i64: 2, 16>, scalar_prefetch = 0 : i64, scratch_operands = 7 : i64, tpu.core_type = #tpu.core_type<sc_vector_subcore>, window_params = [{transform_indices = #map}, {transform_indices = #map}, {transform_indices = #map1}, {transform_indices = #map1}, {transform_indices = #map}, {transform_indices = #map}]} {
    %mul3A = arith.constant 2 : i32
    %mul3A_0 = arith.muli %arg1, %mul3A : i32
    %add3A = arith.addi %mul3A_0, %arg0 : i32
    %mul3A_1 = arith.constant 512 : i32
    %mul3A_2 = arith.muli %add3A, %mul3A_1 : i32
    "tpu.region"() ({
      %run_scoped3A_579 = tpu.sem_alloc : memref<!tpu.dma_semaphore, #tpu.memory_space<semaphore_mem>>
      %dma_start3A_580 = tpu.memref_slice %arg4[%mul3A_2] : memref<16384xi32, #tpu.memory_space<hbm>> -> memref<512xi32, #tpu.memory_space<hbm>>
      %dma_start3A_581 = tpu.memref_slice %arg4[%mul3A_2] : memref<16384xi32, #tpu.memory_space<hbm>> -> memref<512xi32, #tpu.memory_space<hbm>>
      tpu.enqueue_dma source(%dma_start3A_581 : memref<512xi32, #tpu.memory_space<hbm>>) target(%arg8 : memref<512xi32, #tpu.memory_space<vmem>>) target_semaphore(%run_scoped3A_579 : memref<!tpu.dma_semaphore, #tpu.memory_space<semaphore_mem>>)
      %dma_wait3A_582 = tpu.memref_slice %arg4[%mul3A_2] : memref<16384xi32, #tpu.memory_space<hbm>> -> memref<512xi32, #tpu.memory_space<hbm>>
      %dma_wait3A_583 = tpu.memref_slice %arg4[%mul3A_2] : memref<16384xi32, #tpu.memory_space<hbm>> -> memref<512xi32, #tpu.memory_space<hbm>>
      tpu.wait_dma2 semaphore(%run_scoped3A_579 : memref<!tpu.dma_semaphore, #tpu.memory_space<semaphore_mem>>) src(%dma_wait3A_583 : memref<512xi32, #tpu.memory_space<hbm>>) dst(%arg8 : memref<512xi32, #tpu.memory_space<vmem>>)
      tpu.yield
    }) : () -> ()
    %dma_start3A = arith.constant 0 : i32
    %dma_start3A_3 = arith.constant 0 : i32
    %dma_start3A_4 = tpu.memref_slice %arg2[%dma_start3A, %dma_start3A_3] : memref<1000000x128xf32, #tpu.memory_space<hbm>> -> memref<1000000x128xf32, #tpu.memory_space<hbm>>
    tpu.enqueue_indirect_dma source(%dma_start3A_4 : memref<1000000x128xf32, #tpu.memory_space<hbm>>) target(%arg12 : memref<512x128xf32, #tpu.memory_space<vmem>>) offsets(%arg8 : memref<512xi32, #tpu.memory_space<vmem>>) semaphore(%arg14 : memref<!tpu.dma_semaphore, #tpu.memory_space<semaphore_mem>>)
    %add3A_5 = arith.constant 0 : i32
    %add3A_6 = arith.addi %mul3A_2, %add3A_5 : i32
    %run_scoped3A = arith.constant 0 : i32
    "tpu.region"() ({
      %run_scoped3A_579 = tpu.sem_alloc : memref<!tpu.dma_semaphore, #tpu.memory_space<semaphore_mem>>
      %dma_start3A_580 = arith.constant 0 : i32
      %dma_start3A_581 = tpu.memref_slice %arg9[%run_scoped3A, %dma_start3A_580] : memref<4x128xi32, #tpu.memory_space<vmem>> -> memref<1x128xi32, #tpu.memory_space<vmem>>
      %dma_start3A_582 = tpu.memref_squeeze %dma_start3A_581 : memref<1x128xi32, #tpu.memory_space<vmem>> -> memref<128xi32, #tpu.memory_space<vmem>>
      %dma_start3A_583 = tpu.memref_slice %arg4[%add3A_6] : memref<16384xi32, #tpu.memory_space<hbm>> -> memref<128xi32, #tpu.memory_space<hbm>>
      %dma_start3A_584 = arith.constant 0 : i32
      %dma_start3A_585 = tpu.memref_slice %arg9[%run_scoped3A, %dma_start3A_584] : memref<4x128xi32, #tpu.memory_space<vmem>> -> memref<1x128xi32, #tpu.memory_space<vmem>>
      %dma_start3A_586 = tpu.memref_squeeze %dma_start3A_585 : memref<1x128xi32, #tpu.memory_space<vmem>> -> memref<128xi32, #tpu.memory_space<vmem>>
      %dma_start3A_587 = tpu.memref_slice %arg4[%add3A_6] : memref<16384xi32, #tpu.memory_space<hbm>> -> memref<128xi32, #tpu.memory_space<hbm>>
      tpu.enqueue_dma source(%dma_start3A_587 : memref<128xi32, #tpu.memory_space<hbm>>) target(%dma_start3A_586 : memref<128xi32, #tpu.memory_space<vmem>>) target_semaphore(%run_scoped3A_579 : memref<!tpu.dma_semaphore, #tpu.memory_space<semaphore_mem>>)
      %dma_wait3A_588 = arith.constant 0 : i32
      %dma_wait3A_589 = tpu.memref_slice %arg9[%run_scoped3A, %dma_wait3A_588] : memref<4x128xi32, #tpu.memory_space<vmem>> -> memref<1x128xi32, #tpu.memory_space<vmem>>
      %dma_wait3A_590 = tpu.memref_squeeze %dma_wait3A_589 : memref<1x128xi32, #tpu.memory_space<vmem>> -> memref<128xi32, #tpu.memory_space<vmem>>
      %dma_wait3A_591 = tpu.memref_slice %arg4[%add3A_6] : memref<16384xi32, #tpu.memory_space<hbm>> -> memref<128xi32, #tpu.memory_space<hbm>>
      %dma_wait3A_592 = arith.constant 0 : i32
      %dma_wait3A_593 = tpu.memref_slice %arg9[%run_scoped3A, %dma_wait3A_592] : memref<4x128xi32, #tpu.memory_space<vmem>> -> memref<1x128xi32, #tpu.memory_space<vmem>>
      %dma_wait3A_594 = tpu.memref_squeeze %dma_wait3A_593 : memref<1x128xi32, #tpu.memory_space<vmem>> -> memref<128xi32, #tpu.memory_space<vmem>>
      %dma_wait3A_595 = tpu.memref_slice %arg4[%add3A_6] : memref<16384xi32, #tpu.memory_space<hbm>> -> memref<128xi32, #tpu.memory_space<hbm>>
      tpu.wait_dma2 semaphore(%run_scoped3A_579 : memref<!tpu.dma_semaphore, #tpu.memory_space<semaphore_mem>>) src(%dma_wait3A_595 : memref<128xi32, #tpu.memory_space<hbm>>) dst(%dma_wait3A_594 : memref<128xi32, #tpu.memory_space<vmem>>)
      tpu.yield
    }) : () -> ()
    %add3A_7 = arith.constant 128 : i32
    %add3A_8 = arith.addi %mul3A_2, %add3A_7 : i32
    %run_scoped3A_9 = arith.constant 1 : i32
    "tpu.region"() ({
      %run_scoped3A_579 = tpu.sem_alloc : memref<!tpu.dma_semaphore, #tpu.memory_space<semaphore_mem>>
      %dma_start3A_580 = arith.constant 0 : i32
      %dma_start3A_581 = tpu.memref_slice %arg9[%run_scoped3A_9, %dma_start3A_580] : memref<4x128xi32, #tpu.memory_space<vmem>> -> memref<1x128xi32, #tpu.memory_space<vmem>>
      %dma_start3A_582 = tpu.memref_squeeze %dma_start3A_581 : memref<1x128xi32, #tpu.memory_space<vmem>> -> memref<128xi32, #tpu.memory_space<vmem>>
      %dma_start3A_583 = tpu.memref_slice %arg4[%add3A_8] : memref<16384xi32, #tpu.memory_space<hbm>> -> memref<128xi32, #tpu.memory_space<hbm>>
      %dma_start3A_584 = arith.constant 0 : i32
      %dma_start3A_585 = tpu.memref_slice %arg9[%run_scoped3A_9, %dma_start3A_584] : memref<4x128xi32, #tpu.memory_space<vmem>> -> memref<1x128xi32, #tpu.memory_space<vmem>>
      %dma_start3A_586 = tpu.memref_squeeze %dma_start3A_585 : memref<1x128xi32, #tpu.memory_space<vmem>> -> memref<128xi32, #tpu.memory_space<vmem>>
      %dma_start3A_587 = tpu.memref_slice %arg4[%add3A_8] : memref<16384xi32, #tpu.memory_space<hbm>> -> memref<128xi32, #tpu.memory_space<hbm>>
      tpu.enqueue_dma source(%dma_start3A_587 : memref<128xi32, #tpu.memory_space<hbm>>) target(%dma_start3A_586 : memref<128xi32, #tpu.memory_space<vmem>>) target_semaphore(%run_scoped3A_579 : memref<!tpu.dma_semaphore, #tpu.memory_space<semaphore_mem>>)
      %dma_wait3A_588 = arith.constant 0 : i32
      %dma_wait3A_589 = tpu.memref_slice %arg9[%run_scoped3A_9, %dma_wait3A_588] : memref<4x128xi32, #tpu.memory_space<vmem>> -> memref<1x128xi32, #tpu.memory_space<vmem>>
      %dma_wait3A_590 = tpu.memref_squeeze %dma_wait3A_589 : memref<1x128xi32, #tpu.memory_space<vmem>> -> memref<128xi32, #tpu.memory_space<vmem>>
      %dma_wait3A_591 = tpu.memref_slice %arg4[%add3A_8] : memref<16384xi32, #tpu.memory_space<hbm>> -> memref<128xi32, #tpu.memory_space<hbm>>
      %dma_wait3A_592 = arith.constant 0 : i32
      %dma_wait3A_593 = tpu.memref_slice %arg9[%run_scoped3A_9, %dma_wait3A_592] : memref<4x128xi32, #tpu.memory_space<vmem>> -> memref<1x128xi32, #tpu.memory_space<vmem>>
      %dma_wait3A_594 = tpu.memref_squeeze %dma_wait3A_593 : memref<1x128xi32, #tpu.memory_space<vmem>> -> memref<128xi32, #tpu.memory_space<vmem>>
      %dma_wait3A_595 = tpu.memref_slice %arg4[%add3A_8] : memref<16384xi32, #tpu.memory_space<hbm>> -> memref<128xi32, #tpu.memory_space<hbm>>
      tpu.wait_dma2 semaphore(%run_scoped3A_579 : memref<!tpu.dma_semaphore, #tpu.memory_space<semaphore_mem>>) src(%dma_wait3A_595 : memref<128xi32, #tpu.memory_space<hbm>>) dst(%dma_wait3A_594 : memref<128xi32, #tpu.memory_space<vmem>>)
      tpu.yield
    }) : () -> ()
    %add3A_10 = arith.constant 256 : i32
    %add3A_11 = arith.addi %mul3A_2, %add3A_10 : i32
    %run_scoped3A_12 = arith.constant 2 : i32
    "tpu.region"() ({
      %run_scoped3A_579 = tpu.sem_alloc : memref<!tpu.dma_semaphore, #tpu.memory_space<semaphore_mem>>
      %dma_start3A_580 = arith.constant 0 : i32
      %dma_start3A_581 = tpu.memref_slice %arg9[%run_scoped3A_12, %dma_start3A_580] : memref<4x128xi32, #tpu.memory_space<vmem>> -> memref<1x128xi32, #tpu.memory_space<vmem>>
      %dma_start3A_582 = tpu.memref_squeeze %dma_start3A_581 : memref<1x128xi32, #tpu.memory_space<vmem>> -> memref<128xi32, #tpu.memory_space<vmem>>
      %dma_start3A_583 = tpu.memref_slice %arg4[%add3A_11] : memref<16384xi32, #tpu.memory_space<hbm>> -> memref<128xi32, #tpu.memory_space<hbm>>
      %dma_start3A_584 = arith.constant 0 : i32
      %dma_start3A_585 = tpu.memref_slice %arg9[%run_scoped3A_12, %dma_start3A_584] : memref<4x128xi32, #tpu.memory_space<vmem>> -> memref<1x128xi32, #tpu.memory_space<vmem>>
      %dma_start3A_586 = tpu.memref_squeeze %dma_start3A_585 : memref<1x128xi32, #tpu.memory_space<vmem>> -> memref<128xi32, #tpu.memory_space<vmem>>
      %dma_start3A_587 = tpu.memref_slice %arg4[%add3A_11] : memref<16384xi32, #tpu.memory_space<hbm>> -> memref<128xi32, #tpu.memory_space<hbm>>
      tpu.enqueue_dma source(%dma_start3A_587 : memref<128xi32, #tpu.memory_space<hbm>>) target(%dma_start3A_586 : memref<128xi32, #tpu.memory_space<vmem>>) target_semaphore(%run_scoped3A_579 : memref<!tpu.dma_semaphore, #tpu.memory_space<semaphore_mem>>)
      %dma_wait3A_588 = arith.constant 0 : i32
      %dma_wait3A_589 = tpu.memref_slice %arg9[%run_scoped3A_12, %dma_wait3A_588] : memref<4x128xi32, #tpu.memory_space<vmem>> -> memref<1x128xi32, #tpu.memory_space<vmem>>
      %dma_wait3A_590 = tpu.memref_squeeze %dma_wait3A_589 : memref<1x128xi32, #tpu.memory_space<vmem>> -> memref<128xi32, #tpu.memory_space<vmem>>
      %dma_wait3A_591 = tpu.memref_slice %arg4[%add3A_11] : memref<16384xi32, #tpu.memory_space<hbm>> -> memref<128xi32, #tpu.memory_space<hbm>>
      %dma_wait3A_592 = arith.constant 0 : i32
      %dma_wait3A_593 = tpu.memref_slice %arg9[%run_scoped3A_12, %dma_wait3A_592] : memref<4x128xi32, #tpu.memory_space<vmem>> -> memref<1x128xi32, #tpu.memory_space<vmem>>
      %dma_wait3A_594 = tpu.memref_squeeze %dma_wait3A_593 : memref<1x128xi32, #tpu.memory_space<vmem>> -> memref<128xi32, #tpu.memory_space<vmem>>
      %dma_wait3A_595 = tpu.memref_slice %arg4[%add3A_11] : memref<16384xi32, #tpu.memory_space<hbm>> -> memref<128xi32, #tpu.memory_space<hbm>>
      tpu.wait_dma2 semaphore(%run_scoped3A_579 : memref<!tpu.dma_semaphore, #tpu.memory_space<semaphore_mem>>) src(%dma_wait3A_595 : memref<128xi32, #tpu.memory_space<hbm>>) dst(%dma_wait3A_594 : memref<128xi32, #tpu.memory_space<vmem>>)
      tpu.yield
    }) : () -> ()
    %add3A_13 = arith.constant 384 : i32
    %add3A_14 = arith.addi %mul3A_2, %add3A_13 : i32
    %run_scoped3A_15 = arith.constant 3 : i32
    "tpu.region"() ({
      %run_scoped3A_579 = tpu.sem_alloc : memref<!tpu.dma_semaphore, #tpu.memory_space<semaphore_mem>>
      %dma_start3A_580 = arith.constant 0 : i32
      %dma_start3A_581 = tpu.memref_slice %arg9[%run_scoped3A_15, %dma_start3A_580] : memref<4x128xi32, #tpu.memory_space<vmem>> -> memref<1x128xi32, #tpu.memory_space<vmem>>
      %dma_start3A_582 = tpu.memref_squeeze %dma_start3A_581 : memref<1x128xi32, #tpu.memory_space<vmem>> -> memref<128xi32, #tpu.memory_space<vmem>>
      %dma_start3A_583 = tpu.memref_slice %arg4[%add3A_14] : memref<16384xi32, #tpu.memory_space<hbm>> -> memref<128xi32, #tpu.memory_space<hbm>>
      %dma_start3A_584 = arith.constant 0 : i32
      %dma_start3A_585 = tpu.memref_slice %arg9[%run_scoped3A_15, %dma_start3A_584] : memref<4x128xi32, #tpu.memory_space<vmem>> -> memref<1x128xi32, #tpu.memory_space<vmem>>
      %dma_start3A_586 = tpu.memref_squeeze %dma_start3A_585 : memref<1x128xi32, #tpu.memory_space<vmem>> -> memref<128xi32, #tpu.memory_space<vmem>>
      %dma_start3A_587 = tpu.memref_slice %arg4[%add3A_14] : memref<16384xi32, #tpu.memory_space<hbm>> -> memref<128xi32, #tpu.memory_space<hbm>>
      tpu.enqueue_dma source(%dma_start3A_587 : memref<128xi32, #tpu.memory_space<hbm>>) target(%dma_start3A_586 : memref<128xi32, #tpu.memory_space<vmem>>) target_semaphore(%run_scoped3A_579 : memref<!tpu.dma_semaphore, #tpu.memory_space<semaphore_mem>>)
      %dma_wait3A_588 = arith.constant 0 : i32
      %dma_wait3A_589 = tpu.memref_slice %arg9[%run_scoped3A_15, %dma_wait3A_588] : memref<4x128xi32, #tpu.memory_space<vmem>> -> memref<1x128xi32, #tpu.memory_space<vmem>>
      %dma_wait3A_590 = tpu.memref_squeeze %dma_wait3A_589 : memref<1x128xi32, #tpu.memory_space<vmem>> -> memref<128xi32, #tpu.memory_space<vmem>>
      %dma_wait3A_591 = tpu.memref_slice %arg4[%add3A_14] : memref<16384xi32, #tpu.memory_space<hbm>> -> memref<128xi32, #tpu.memory_space<hbm>>
      %dma_wait3A_592 = arith.constant 0 : i32
      %dma_wait3A_593 = tpu.memref_slice %arg9[%run_scoped3A_15, %dma_wait3A_592] : memref<4x128xi32, #tpu.memory_space<vmem>> -> memref<1x128xi32, #tpu.memory_space<vmem>>
      %dma_wait3A_594 = tpu.memref_squeeze %dma_wait3A_593 : memref<1x128xi32, #tpu.memory_space<vmem>> -> memref<128xi32, #tpu.memory_space<vmem>>
      %dma_wait3A_595 = tpu.memref_slice %arg4[%add3A_14] : memref<16384xi32, #tpu.memory_space<hbm>> -> memref<128xi32, #tpu.memory_space<hbm>>
      tpu.wait_dma2 semaphore(%run_scoped3A_579 : memref<!tpu.dma_semaphore, #tpu.memory_space<semaphore_mem>>) src(%dma_wait3A_595 : memref<128xi32, #tpu.memory_space<hbm>>) dst(%dma_wait3A_594 : memref<128xi32, #tpu.memory_space<vmem>>)
      tpu.yield
    }) : () -> ()
    %dma_start3A_16 = arith.constant 0 : i32
    %dma_start3A_17 = arith.constant 0 : i32
    %dma_start3A_18 = arith.constant 0 : i32
    %dma_start3A_19 = tpu.memref_slice %arg10[%dma_start3A_17, %dma_start3A_18] : memref<4x128xi32, #tpu.memory_space<vmem>> -> memref<1x128xi32, #tpu.memory_space<vmem>>
    %dma_start3A_20 = tpu.memref_squeeze %dma_start3A_19 : memref<1x128xi32, #tpu.memory_space<vmem>> -> memref<128xi32, #tpu.memory_space<vmem>>
    %dma_start3A_21 = arith.constant 0 : i32
    %dma_start3A_22 = tpu.memref_slice %arg9[%dma_start3A_16, %dma_start3A_21] : memref<4x128xi32, #tpu.memory_space<vmem>> -> memref<1x128xi32, #tpu.memory_space<vmem>>
    %dma_start3A_23 = tpu.memref_squeeze %dma_start3A_22 : memref<1x128xi32, #tpu.memory_space<vmem>> -> memref<128xi32, #tpu.memory_space<vmem>>
    %dma_start3A_24 = arith.constant 0 : i32
    %dma_start3A_25 = tpu.memref_slice %arg5[%dma_start3A_24] : memref<1000000xi32, #tpu.memory_space<hbm>> -> memref<1000000xi32, #tpu.memory_space<hbm>>
    tpu.enqueue_indirect_dma source(%dma_start3A_25 : memref<1000000xi32, #tpu.memory_space<hbm>>) target(%dma_start3A_20 : memref<128xi32, #tpu.memory_space<vmem>>) offsets(%dma_start3A_23 : memref<128xi32, #tpu.memory_space<vmem>>) semaphore(%arg13 : memref<!tpu.dma_semaphore, #tpu.memory_space<semaphore_mem>>)
    %dma_start3A_26 = arith.constant 1 : i32
    %dma_start3A_27 = arith.constant 1 : i32
    %dma_start3A_28 = arith.constant 0 : i32
    %dma_start3A_29 = tpu.memref_slice %arg10[%dma_start3A_27, %dma_start3A_28] : memref<4x128xi32, #tpu.memory_space<vmem>> -> memref<1x128xi32, #tpu.memory_space<vmem>>
    %dma_start3A_30 = tpu.memref_squeeze %dma_start3A_29 : memref<1x128xi32, #tpu.memory_space<vmem>> -> memref<128xi32, #tpu.memory_space<vmem>>
    %dma_start3A_31 = arith.constant 0 : i32
    %dma_start3A_32 = tpu.memref_slice %arg9[%dma_start3A_26, %dma_start3A_31] : memref<4x128xi32, #tpu.memory_space<vmem>> -> memref<1x128xi32, #tpu.memory_space<vmem>>
    %dma_start3A_33 = tpu.memref_squeeze %dma_start3A_32 : memref<1x128xi32, #tpu.memory_space<vmem>> -> memref<128xi32, #tpu.memory_space<vmem>>
    %dma_start3A_34 = arith.constant 0 : i32
    %dma_start3A_35 = tpu.memref_slice %arg5[%dma_start3A_34] : memref<1000000xi32, #tpu.memory_space<hbm>> -> memref<1000000xi32, #tpu.memory_space<hbm>>
    tpu.enqueue_indirect_dma source(%dma_start3A_35 : memref<1000000xi32, #tpu.memory_space<hbm>>) target(%dma_start3A_30 : memref<128xi32, #tpu.memory_space<vmem>>) offsets(%dma_start3A_33 : memref<128xi32, #tpu.memory_space<vmem>>) semaphore(%arg13 : memref<!tpu.dma_semaphore, #tpu.memory_space<semaphore_mem>>)
    %dma_start3A_36 = arith.constant 2 : i32
    %dma_start3A_37 = arith.constant 2 : i32
    %dma_start3A_38 = arith.constant 0 : i32
    %dma_start3A_39 = tpu.memref_slice %arg10[%dma_start3A_37, %dma_start3A_38] : memref<4x128xi32, #tpu.memory_space<vmem>> -> memref<1x128xi32, #tpu.memory_space<vmem>>
    %dma_start3A_40 = tpu.memref_squeeze %dma_start3A_39 : memref<1x128xi32, #tpu.memory_space<vmem>> -> memref<128xi32, #tpu.memory_space<vmem>>
    %dma_start3A_41 = arith.constant 0 : i32
    %dma_start3A_42 = tpu.memref_slice %arg9[%dma_start3A_36, %dma_start3A_41] : memref<4x128xi32, #tpu.memory_space<vmem>> -> memref<1x128xi32, #tpu.memory_space<vmem>>
    %dma_start3A_43 = tpu.memref_squeeze %dma_start3A_42 : memref<1x128xi32, #tpu.memory_space<vmem>> -> memref<128xi32, #tpu.memory_space<vmem>>
    %dma_start3A_44 = arith.constant 0 : i32
    %dma_start3A_45 = tpu.memref_slice %arg5[%dma_start3A_44] : memref<1000000xi32, #tpu.memory_space<hbm>> -> memref<1000000xi32, #tpu.memory_space<hbm>>
    tpu.enqueue_indirect_dma source(%dma_start3A_45 : memref<1000000xi32, #tpu.memory_space<hbm>>) target(%dma_start3A_40 : memref<128xi32, #tpu.memory_space<vmem>>) offsets(%dma_start3A_43 : memref<128xi32, #tpu.memory_space<vmem>>) semaphore(%arg13 : memref<!tpu.dma_semaphore, #tpu.memory_space<semaphore_mem>>)
    %dma_start3A_46 = arith.constant 3 : i32
    %dma_start3A_47 = arith.constant 3 : i32
    %dma_start3A_48 = arith.constant 0 : i32
    %dma_start3A_49 = tpu.memref_slice %arg10[%dma_start3A_47, %dma_start3A_48] : memref<4x128xi32, #tpu.memory_space<vmem>> -> memref<1x128xi32, #tpu.memory_space<vmem>>
    %dma_start3A_50 = tpu.memref_squeeze %dma_start3A_49 : memref<1x128xi32, #tpu.memory_space<vmem>> -> memref<128xi32, #tpu.memory_space<vmem>>
    %dma_start3A_51 = arith.constant 0 : i32
    %dma_start3A_52 = tpu.memref_slice %arg9[%dma_start3A_46, %dma_start3A_51] : memref<4x128xi32, #tpu.memory_space<vmem>> -> memref<1x128xi32, #tpu.memory_space<vmem>>
    %dma_start3A_53 = tpu.memref_squeeze %dma_start3A_52 : memref<1x128xi32, #tpu.memory_space<vmem>> -> memref<128xi32, #tpu.memory_space<vmem>>
    %dma_start3A_54 = arith.constant 0 : i32
    %dma_start3A_55 = tpu.memref_slice %arg5[%dma_start3A_54] : memref<1000000xi32, #tpu.memory_space<hbm>> -> memref<1000000xi32, #tpu.memory_space<hbm>>
    tpu.enqueue_indirect_dma source(%dma_start3A_55 : memref<1000000xi32, #tpu.memory_space<hbm>>) target(%dma_start3A_50 : memref<128xi32, #tpu.memory_space<vmem>>) offsets(%dma_start3A_53 : memref<128xi32, #tpu.memory_space<vmem>>) semaphore(%arg13 : memref<!tpu.dma_semaphore, #tpu.memory_space<semaphore_mem>>)
    %dma_wait3A = arith.constant 0 : i32
    %dma_wait3A_56 = arith.constant 0 : i32
    %dma_wait3A_57 = arith.constant 0 : i32
    %dma_wait3A_58 = tpu.memref_slice %arg10[%dma_wait3A_56, %dma_wait3A_57] : memref<4x128xi32, #tpu.memory_space<vmem>> -> memref<1x128xi32, #tpu.memory_space<vmem>>
    %dma_wait3A_59 = tpu.memref_squeeze %dma_wait3A_58 : memref<1x128xi32, #tpu.memory_space<vmem>> -> memref<128xi32, #tpu.memory_space<vmem>>
    %dma_wait3A_60 = arith.constant 0 : i32
    %dma_wait3A_61 = tpu.memref_slice %arg9[%dma_wait3A, %dma_wait3A_60] : memref<4x128xi32, #tpu.memory_space<vmem>> -> memref<1x128xi32, #tpu.memory_space<vmem>>
    %dma_wait3A_62 = tpu.memref_squeeze %dma_wait3A_61 : memref<1x128xi32, #tpu.memory_space<vmem>> -> memref<128xi32, #tpu.memory_space<vmem>>
    %dma_wait3A_63 = arith.constant 0 : i32
    %dma_wait3A_64 = tpu.memref_slice %arg5[%dma_wait3A_63] : memref<1000000xi32, #tpu.memory_space<hbm>> -> memref<1000000xi32, #tpu.memory_space<hbm>>
    tpu.wait_indirect_dma semaphore(%arg13 : memref<!tpu.dma_semaphore, #tpu.memory_space<semaphore_mem>>) src(%dma_wait3A_64 : memref<1000000xi32, #tpu.memory_space<hbm>>) dst(%dma_wait3A_59 : memref<128xi32, #tpu.memory_space<vmem>>)
    %dma_wait3A_65 = arith.constant 1 : i32
    %dma_wait3A_66 = arith.constant 1 : i32
    %dma_wait3A_67 = arith.constant 0 : i32
    %dma_wait3A_68 = tpu.memref_slice %arg10[%dma_wait3A_66, %dma_wait3A_67] : memref<4x128xi32, #tpu.memory_space<vmem>> -> memref<1x128xi32, #tpu.memory_space<vmem>>
    %dma_wait3A_69 = tpu.memref_squeeze %dma_wait3A_68 : memref<1x128xi32, #tpu.memory_space<vmem>> -> memref<128xi32, #tpu.memory_space<vmem>>
    %dma_wait3A_70 = arith.constant 0 : i32
    %dma_wait3A_71 = tpu.memref_slice %arg9[%dma_wait3A_65, %dma_wait3A_70] : memref<4x128xi32, #tpu.memory_space<vmem>> -> memref<1x128xi32, #tpu.memory_space<vmem>>
    %dma_wait3A_72 = tpu.memref_squeeze %dma_wait3A_71 : memref<1x128xi32, #tpu.memory_space<vmem>> -> memref<128xi32, #tpu.memory_space<vmem>>
    %dma_wait3A_73 = arith.constant 0 : i32
    %dma_wait3A_74 = tpu.memref_slice %arg5[%dma_wait3A_73] : memref<1000000xi32, #tpu.memory_space<hbm>> -> memref<1000000xi32, #tpu.memory_space<hbm>>
    tpu.wait_indirect_dma semaphore(%arg13 : memref<!tpu.dma_semaphore, #tpu.memory_space<semaphore_mem>>) src(%dma_wait3A_74 : memref<1000000xi32, #tpu.memory_space<hbm>>) dst(%dma_wait3A_69 : memref<128xi32, #tpu.memory_space<vmem>>)
    %dma_wait3A_75 = arith.constant 2 : i32
    %dma_wait3A_76 = arith.constant 2 : i32
    %dma_wait3A_77 = arith.constant 0 : i32
    %dma_wait3A_78 = tpu.memref_slice %arg10[%dma_wait3A_76, %dma_wait3A_77] : memref<4x128xi32, #tpu.memory_space<vmem>> -> memref<1x128xi32, #tpu.memory_space<vmem>>
    %dma_wait3A_79 = tpu.memref_squeeze %dma_wait3A_78 : memref<1x128xi32, #tpu.memory_space<vmem>> -> memref<128xi32, #tpu.memory_space<vmem>>
    %dma_wait3A_80 = arith.constant 0 : i32
    %dma_wait3A_81 = tpu.memref_slice %arg9[%dma_wait3A_75, %dma_wait3A_80] : memref<4x128xi32, #tpu.memory_space<vmem>> -> memref<1x128xi32, #tpu.memory_space<vmem>>
    %dma_wait3A_82 = tpu.memref_squeeze %dma_wait3A_81 : memref<1x128xi32, #tpu.memory_space<vmem>> -> memref<128xi32, #tpu.memory_space<vmem>>
    %dma_wait3A_83 = arith.constant 0 : i32
    %dma_wait3A_84 = tpu.memref_slice %arg5[%dma_wait3A_83] : memref<1000000xi32, #tpu.memory_space<hbm>> -> memref<1000000xi32, #tpu.memory_space<hbm>>
    tpu.wait_indirect_dma semaphore(%arg13 : memref<!tpu.dma_semaphore, #tpu.memory_space<semaphore_mem>>) src(%dma_wait3A_84 : memref<1000000xi32, #tpu.memory_space<hbm>>) dst(%dma_wait3A_79 : memref<128xi32, #tpu.memory_space<vmem>>)
    %dma_wait3A_85 = arith.constant 3 : i32
    %dma_wait3A_86 = arith.constant 3 : i32
    %dma_wait3A_87 = arith.constant 0 : i32
    %dma_wait3A_88 = tpu.memref_slice %arg10[%dma_wait3A_86, %dma_wait3A_87] : memref<4x128xi32, #tpu.memory_space<vmem>> -> memref<1x128xi32, #tpu.memory_space<vmem>>
    %dma_wait3A_89 = tpu.memref_squeeze %dma_wait3A_88 : memref<1x128xi32, #tpu.memory_space<vmem>> -> memref<128xi32, #tpu.memory_space<vmem>>
    %dma_wait3A_90 = arith.constant 0 : i32
    %dma_wait3A_91 = tpu.memref_slice %arg9[%dma_wait3A_85, %dma_wait3A_90] : memref<4x128xi32, #tpu.memory_space<vmem>> -> memref<1x128xi32, #tpu.memory_space<vmem>>
    %dma_wait3A_92 = tpu.memref_squeeze %dma_wait3A_91 : memref<1x128xi32, #tpu.memory_space<vmem>> -> memref<128xi32, #tpu.memory_space<vmem>>
    %dma_wait3A_93 = arith.constant 0 : i32
    %dma_wait3A_94 = tpu.memref_slice %arg5[%dma_wait3A_93] : memref<1000000xi32, #tpu.memory_space<hbm>> -> memref<1000000xi32, #tpu.memory_space<hbm>>
    tpu.wait_indirect_dma semaphore(%arg13 : memref<!tpu.dma_semaphore, #tpu.memory_space<semaphore_mem>>) src(%dma_wait3A_94 : memref<1000000xi32, #tpu.memory_space<hbm>>) dst(%dma_wait3A_89 : memref<128xi32, #tpu.memory_space<vmem>>)
    %get3A = arith.constant 0 : i32
    %get3A_95 = arith.index_cast %get3A : i32 to index
    %get3A_96 = arith.constant 0 : index
    %get3A_97 = tpu.vector_load %arg10[%get3A_95, %get3A_96] {strides = array<i32>} : memref<4x128xi32, #tpu.memory_space<vmem>>, vector<1x16xi32>,
    %get3A_98 = vector.shape_cast %get3A_97 : vector<1x16xi32> to vector<16xi32>
    %jit3A = arith.constant 0 : i32
    %jit3A_99 = arith.constant 16383 : i32
    %max3A = vector.broadcast %jit3A : i32 to vector<16xi32>
    %max3A_100 = arith.maxsi %max3A, %get3A_98 : vector<16xi32>
    %min3A = vector.broadcast %jit3A_99 : i32 to vector<16xi32>
    %min3A_101 = arith.minsi %min3A, %max3A_100 : vector<16xi32>
    %swap3A = arith.constant 0 : index
    %swap3A_102 = tpu.vector_load %arg11[%swap3A] {strides = array<i32>} : memref<512xi32, #tpu.memory_space<vmem>>, vector<16xi32>,
    %swap3A_103 = vector.shape_cast %swap3A_102 : vector<16xi32> to vector<16xi32>
    %swap3A_104 = vector.shape_cast %min3A_101 : vector<16xi32> to vector<16xi32>
    tpu.vector_store %arg11[%swap3A], %swap3A_104 {strides = array<i32>} : memref<512xi32, #tpu.memory_space<vmem>>, vector<16xi32>,
    %get3A_105 = arith.constant 0 : i32
    %get3A_106 = arith.index_cast %get3A_105 : i32 to index
    %get3A_107 = arith.constant 16 : index
    %get3A_108 = tpu.vector_load %arg10[%get3A_106, %get3A_107] {strides = array<i32>} : memref<4x128xi32, #tpu.memory_space<vmem>>, vector<1x16xi32>,
    %get3A_109 = vector.shape_cast %get3A_108 : vector<1x16xi32> to vector<16xi32>
    %jit3A_110 = arith.constant 0 : i32
    %jit3A_111 = arith.constant 16383 : i32
    %max3A_112 = vector.broadcast %jit3A_110 : i32 to vector<16xi32>
    %max3A_113 = arith.maxsi %max3A_112, %get3A_109 : vector<16xi32>
    %min3A_114 = vector.broadcast %jit3A_111 : i32 to vector<16xi32>
    %min3A_115 = arith.minsi %min3A_114, %max3A_113 : vector<16xi32>
    %swap3A_116 = arith.constant 16 : index
    %swap3A_117 = tpu.vector_load %arg11[%swap3A_116] {strides = array<i32>} : memref<512xi32, #tpu.memory_space<vmem>>, vector<16xi32>,
    %swap3A_118 = vector.shape_cast %swap3A_117 : vector<16xi32> to vector<16xi32>
    %swap3A_119 = vector.shape_cast %min3A_115 : vector<16xi32> to vector<16xi32>
    tpu.vector_store %arg11[%swap3A_116], %swap3A_119 {strides = array<i32>} : memref<512xi32, #tpu.memory_space<vmem>>, vector<16xi32>,
    %get3A_120 = arith.constant 0 : i32
    %get3A_121 = arith.index_cast %get3A_120 : i32 to index
    %get3A_122 = arith.constant 32 : index
    %get3A_123 = tpu.vector_load %arg10[%get3A_121, %get3A_122] {strides = array<i32>} : memref<4x128xi32, #tpu.memory_space<vmem>>, vector<1x16xi32>,
    %get3A_124 = vector.shape_cast %get3A_123 : vector<1x16xi32> to vector<16xi32>
    %jit3A_125 = arith.constant 0 : i32
    %jit3A_126 = arith.constant 16383 : i32
    %max3A_127 = vector.broadcast %jit3A_125 : i32 to vector<16xi32>
    %max3A_128 = arith.maxsi %max3A_127, %get3A_124 : vector<16xi32>
    %min3A_129 = vector.broadcast %jit3A_126 : i32 to vector<16xi32>
    %min3A_130 = arith.minsi %min3A_129, %max3A_128 : vector<16xi32>
    %swap3A_131 = arith.constant 32 : index
    %swap3A_132 = tpu.vector_load %arg11[%swap3A_131] {strides = array<i32>} : memref<512xi32, #tpu.memory_space<vmem>>, vector<16xi32>,
    %swap3A_133 = vector.shape_cast %swap3A_132 : vector<16xi32> to vector<16xi32>
    %swap3A_134 = vector.shape_cast %min3A_130 : vector<16xi32> to vector<16xi32>
    tpu.vector_store %arg11[%swap3A_131], %swap3A_134 {strides = array<i32>} : memref<512xi32, #tpu.memory_space<vmem>>, vector<16xi32>,
    %get3A_135 = arith.constant 0 : i32
    %get3A_136 = arith.index_cast %get3A_135 : i32 to index
    %get3A_137 = arith.constant 48 : index
    %get3A_138 = tpu.vector_load %arg10[%get3A_136, %get3A_137] {strides = array<i32>} : memref<4x128xi32, #tpu.memory_space<vmem>>, vector<1x16xi32>,
    %get3A_139 = vector.shape_cast %get3A_138 : vector<1x16xi32> to vector<16xi32>
    %jit3A_140 = arith.constant 0 : i32
    %jit3A_141 = arith.constant 16383 : i32
    %max3A_142 = vector.broadcast %jit3A_140 : i32 to vector<16xi32>
    %max3A_143 = arith.maxsi %max3A_142, %get3A_139 : vector<16xi32>
    %min3A_144 = vector.broadcast %jit3A_141 : i32 to vector<16xi32>
    %min3A_145 = arith.minsi %min3A_144, %max3A_143 : vector<16xi32>
    %swap3A_146 = arith.constant 48 : index
    %swap3A_147 = tpu.vector_load %arg11[%swap3A_146] {strides = array<i32>} : memref<512xi32, #tpu.memory_space<vmem>>, vector<16xi32>,
    %swap3A_148 = vector.shape_cast %swap3A_147 : vector<16xi32> to vector<16xi32>
    %swap3A_149 = vector.shape_cast %min3A_145 : vector<16xi32> to vector<16xi32>
    tpu.vector_store %arg11[%swap3A_146], %swap3A_149 {strides = array<i32>} : memref<512xi32, #tpu.memory_space<vmem>>, vector<16xi32>,
    %get3A_150 = arith.constant 0 : i32
    %get3A_151 = arith.index_cast %get3A_150 : i32 to index
    %get3A_152 = arith.constant 64 : index
    %get3A_153 = tpu.vector_load %arg10[%get3A_151, %get3A_152] {strides = array<i32>} : memref<4x128xi32, #tpu.memory_space<vmem>>, vector<1x16xi32>,
    %get3A_154 = vector.shape_cast %get3A_153 : vector<1x16xi32> to vector<16xi32>
    %jit3A_155 = arith.constant 0 : i32
    %jit3A_156 = arith.constant 16383 : i32
    %max3A_157 = vector.broadcast %jit3A_155 : i32 to vector<16xi32>
    %max3A_158 = arith.maxsi %max3A_157, %get3A_154 : vector<16xi32>
    %min3A_159 = vector.broadcast %jit3A_156 : i32 to vector<16xi32>
    %min3A_160 = arith.minsi %min3A_159, %max3A_158 : vector<16xi32>
    %swap3A_161 = arith.constant 64 : index
    %swap3A_162 = tpu.vector_load %arg11[%swap3A_161] {strides = array<i32>} : memref<512xi32, #tpu.memory_space<vmem>>, vector<16xi32>,
    %swap3A_163 = vector.shape_cast %swap3A_162 : vector<16xi32> to vector<16xi32>
    %swap3A_164 = vector.shape_cast %min3A_160 : vector<16xi32> to vector<16xi32>
    tpu.vector_store %arg11[%swap3A_161], %swap3A_164 {strides = array<i32>} : memref<512xi32, #tpu.memory_space<vmem>>, vector<16xi32>,
    %get3A_165 = arith.constant 0 : i32
    %get3A_166 = arith.index_cast %get3A_165 : i32 to index
    %get3A_167 = arith.constant 80 : index
    %get3A_168 = tpu.vector_load %arg10[%get3A_166, %get3A_167] {strides = array<i32>} : memref<4x128xi32, #tpu.memory_space<vmem>>, vector<1x16xi32>,
    %get3A_169 = vector.shape_cast %get3A_168 : vector<1x16xi32> to vector<16xi32>
    %jit3A_170 = arith.constant 0 : i32
    %jit3A_171 = arith.constant 16383 : i32
    %max3A_172 = vector.broadcast %jit3A_170 : i32 to vector<16xi32>
    %max3A_173 = arith.maxsi %max3A_172, %get3A_169 : vector<16xi32>
    %min3A_174 = vector.broadcast %jit3A_171 : i32 to vector<16xi32>
    %min3A_175 = arith.minsi %min3A_174, %max3A_173 : vector<16xi32>
    %swap3A_176 = arith.constant 80 : index
    %swap3A_177 = tpu.vector_load %arg11[%swap3A_176] {strides = array<i32>} : memref<512xi32, #tpu.memory_space<vmem>>, vector<16xi32>,
    %swap3A_178 = vector.shape_cast %swap3A_177 : vector<16xi32> to vector<16xi32>
    %swap3A_179 = vector.shape_cast %min3A_175 : vector<16xi32> to vector<16xi32>
    tpu.vector_store %arg11[%swap3A_176], %swap3A_179 {strides = array<i32>} : memref<512xi32, #tpu.memory_space<vmem>>, vector<16xi32>,
    %get3A_180 = arith.constant 0 : i32
    %get3A_181 = arith.index_cast %get3A_180 : i32 to index
    %get3A_182 = arith.constant 96 : index
    %get3A_183 = tpu.vector_load %arg10[%get3A_181, %get3A_182] {strides = array<i32>} : memref<4x128xi32, #tpu.memory_space<vmem>>, vector<1x16xi32>,
    %get3A_184 = vector.shape_cast %get3A_183 : vector<1x16xi32> to vector<16xi32>
    %jit3A_185 = arith.constant 0 : i32
    %jit3A_186 = arith.constant 16383 : i32
    %max3A_187 = vector.broadcast %jit3A_185 : i32 to vector<16xi32>
    %max3A_188 = arith.maxsi %max3A_187, %get3A_184 : vector<16xi32>
    %min3A_189 = vector.broadcast %jit3A_186 : i32 to vector<16xi32>
    %min3A_190 = arith.minsi %min3A_189, %max3A_188 : vector<16xi32>
    %swap3A_191 = arith.constant 96 : index
    %swap3A_192 = tpu.vector_load %arg11[%swap3A_191] {strides = array<i32>} : memref<512xi32, #tpu.memory_space<vmem>>, vector<16xi32>,
    %swap3A_193 = vector.shape_cast %swap3A_192 : vector<16xi32> to vector<16xi32>
    %swap3A_194 = vector.shape_cast %min3A_190 : vector<16xi32> to vector<16xi32>
    tpu.vector_store %arg11[%swap3A_191], %swap3A_194 {strides = array<i32>} : memref<512xi32, #tpu.memory_space<vmem>>, vector<16xi32>,
    %get3A_195 = arith.constant 0 : i32
    %get3A_196 = arith.index_cast %get3A_195 : i32 to index
    %get3A_197 = arith.constant 112 : index
    %get3A_198 = tpu.vector_load %arg10[%get3A_196, %get3A_197] {strides = array<i32>} : memref<4x128xi32, #tpu.memory_space<vmem>>, vector<1x16xi32>,
    %get3A_199 = vector.shape_cast %get3A_198 : vector<1x16xi32> to vector<16xi32>
    %jit3A_200 = arith.constant 0 : i32
    %jit3A_201 = arith.constant 16383 : i32
    %max3A_202 = vector.broadcast %jit3A_200 : i32 to vector<16xi32>
    %max3A_203 = arith.maxsi %max3A_202, %get3A_199 : vector<16xi32>
    %min3A_204 = vector.broadcast %jit3A_201 : i32 to vector<16xi32>
    %min3A_205 = arith.minsi %min3A_204, %max3A_203 : vector<16xi32>
    %swap3A_206 = arith.constant 112 : index
    %swap3A_207 = tpu.vector_load %arg11[%swap3A_206] {strides = array<i32>} : memref<512xi32, #tpu.memory_space<vmem>>, vector<16xi32>,
    %swap3A_208 = vector.shape_cast %swap3A_207 : vector<16xi32> to vector<16xi32>
    %swap3A_209 = vector.shape_cast %min3A_205 : vector<16xi32> to vector<16xi32>
    tpu.vector_store %arg11[%swap3A_206], %swap3A_209 {strides = array<i32>} : memref<512xi32, #tpu.memory_space<vmem>>, vector<16xi32>,
    %get3A_210 = arith.constant 1 : i32
    %get3A_211 = arith.index_cast %get3A_210 : i32 to index
    %get3A_212 = arith.constant 0 : index
    %get3A_213 = tpu.vector_load %arg10[%get3A_211, %get3A_212] {strides = array<i32>} : memref<4x128xi32, #tpu.memory_space<vmem>>, vector<1x16xi32>,
    %get3A_214 = vector.shape_cast %get3A_213 : vector<1x16xi32> to vector<16xi32>
    %jit3A_215 = arith.constant 0 : i32
    %jit3A_216 = arith.constant 16383 : i32
    %max3A_217 = vector.broadcast %jit3A_215 : i32 to vector<16xi32>
    %max3A_218 = arith.maxsi %max3A_217, %get3A_214 : vector<16xi32>
    %min3A_219 = vector.broadcast %jit3A_216 : i32 to vector<16xi32>
    %min3A_220 = arith.minsi %min3A_219, %max3A_218 : vector<16xi32>
    %swap3A_221 = arith.constant 128 : index
    %swap3A_222 = tpu.vector_load %arg11[%swap3A_221] {strides = array<i32>} : memref<512xi32, #tpu.memory_space<vmem>>, vector<16xi32>,
    %swap3A_223 = vector.shape_cast %swap3A_222 : vector<16xi32> to vector<16xi32>
    %swap3A_224 = vector.shape_cast %min3A_220 : vector<16xi32> to vector<16xi32>
    tpu.vector_store %arg11[%swap3A_221], %swap3A_224 {strides = array<i32>} : memref<512xi32, #tpu.memory_space<vmem>>, vector<16xi32>,
    %get3A_225 = arith.constant 1 : i32
    %get3A_226 = arith.index_cast %get3A_225 : i32 to index
    %get3A_227 = arith.constant 16 : index
    %get3A_228 = tpu.vector_load %arg10[%get3A_226, %get3A_227] {strides = array<i32>} : memref<4x128xi32, #tpu.memory_space<vmem>>, vector<1x16xi32>,
    %get3A_229 = vector.shape_cast %get3A_228 : vector<1x16xi32> to vector<16xi32>
    %jit3A_230 = arith.constant 0 : i32
    %jit3A_231 = arith.constant 16383 : i32
    %max3A_232 = vector.broadcast %jit3A_230 : i32 to vector<16xi32>
    %max3A_233 = arith.maxsi %max3A_232, %get3A_229 : vector<16xi32>
    %min3A_234 = vector.broadcast %jit3A_231 : i32 to vector<16xi32>
    %min3A_235 = arith.minsi %min3A_234, %max3A_233 : vector<16xi32>
    %swap3A_236 = arith.constant 144 : index
    %swap3A_237 = tpu.vector_load %arg11[%swap3A_236] {strides = array<i32>} : memref<512xi32, #tpu.memory_space<vmem>>, vector<16xi32>,
    %swap3A_238 = vector.shape_cast %swap3A_237 : vector<16xi32> to vector<16xi32>
    %swap3A_239 = vector.shape_cast %min3A_235 : vector<16xi32> to vector<16xi32>
    tpu.vector_store %arg11[%swap3A_236], %swap3A_239 {strides = array<i32>} : memref<512xi32, #tpu.memory_space<vmem>>, vector<16xi32>,
    %get3A_240 = arith.constant 1 : i32
    %get3A_241 = arith.index_cast %get3A_240 : i32 to index
    %get3A_242 = arith.constant 32 : index
    %get3A_243 = tpu.vector_load %arg10[%get3A_241, %get3A_242] {strides = array<i32>} : memref<4x128xi32, #tpu.memory_space<vmem>>, vector<1x16xi32>,
    %get3A_244 = vector.shape_cast %get3A_243 : vector<1x16xi32> to vector<16xi32>
    %jit3A_245 = arith.constant 0 : i32
    %jit3A_246 = arith.constant 16383 : i32
    %max3A_247 = vector.broadcast %jit3A_245 : i32 to vector<16xi32>
    %max3A_248 = arith.maxsi %max3A_247, %get3A_244 : vector<16xi32>
    %min3A_249 = vector.broadcast %jit3A_246 : i32 to vector<16xi32>
    %min3A_250 = arith.minsi %min3A_249, %max3A_248 : vector<16xi32>
    %swap3A_251 = arith.constant 160 : index
    %swap3A_252 = tpu.vector_load %arg11[%swap3A_251] {strides = array<i32>} : memref<512xi32, #tpu.memory_space<vmem>>, vector<16xi32>,
    %swap3A_253 = vector.shape_cast %swap3A_252 : vector<16xi32> to vector<16xi32>
    %swap3A_254 = vector.shape_cast %min3A_250 : vector<16xi32> to vector<16xi32>
    tpu.vector_store %arg11[%swap3A_251], %swap3A_254 {strides = array<i32>} : memref<512xi32, #tpu.memory_space<vmem>>, vector<16xi32>,
    %get3A_255 = arith.constant 1 : i32
    %get3A_256 = arith.index_cast %get3A_255 : i32 to index
    %get3A_257 = arith.constant 48 : index
    %get3A_258 = tpu.vector_load %arg10[%get3A_256, %get3A_257] {strides = array<i32>} : memref<4x128xi32, #tpu.memory_space<vmem>>, vector<1x16xi32>,
    %get3A_259 = vector.shape_cast %get3A_258 : vector<1x16xi32> to vector<16xi32>
    %jit3A_260 = arith.constant 0 : i32
    %jit3A_261 = arith.constant 16383 : i32
    %max3A_262 = vector.broadcast %jit3A_260 : i32 to vector<16xi32>
    %max3A_263 = arith.maxsi %max3A_262, %get3A_259 : vector<16xi32>
    %min3A_264 = vector.broadcast %jit3A_261 : i32 to vector<16xi32>
    %min3A_265 = arith.minsi %min3A_264, %max3A_263 : vector<16xi32>
    %swap3A_266 = arith.constant 176 : index
    %swap3A_267 = tpu.vector_load %arg11[%swap3A_266] {strides = array<i32>} : memref<512xi32, #tpu.memory_space<vmem>>, vector<16xi32>,
    %swap3A_268 = vector.shape_cast %swap3A_267 : vector<16xi32> to vector<16xi32>
    %swap3A_269 = vector.shape_cast %min3A_265 : vector<16xi32> to vector<16xi32>
    tpu.vector_store %arg11[%swap3A_266], %swap3A_269 {strides = array<i32>} : memref<512xi32, #tpu.memory_space<vmem>>, vector<16xi32>,
    %get3A_270 = arith.constant 1 : i32
    %get3A_271 = arith.index_cast %get3A_270 : i32 to index
    %get3A_272 = arith.constant 64 : index
    %get3A_273 = tpu.vector_load %arg10[%get3A_271, %get3A_272] {strides = array<i32>} : memref<4x128xi32, #tpu.memory_space<vmem>>, vector<1x16xi32>,
    %get3A_274 = vector.shape_cast %get3A_273 : vector<1x16xi32> to vector<16xi32>
    %jit3A_275 = arith.constant 0 : i32
    %jit3A_276 = arith.constant 16383 : i32
    %max3A_277 = vector.broadcast %jit3A_275 : i32 to vector<16xi32>
    %max3A_278 = arith.maxsi %max3A_277, %get3A_274 : vector<16xi32>
    %min3A_279 = vector.broadcast %jit3A_276 : i32 to vector<16xi32>
    %min3A_280 = arith.minsi %min3A_279, %max3A_278 : vector<16xi32>
    %swap3A_281 = arith.constant 192 : index
    %swap3A_282 = tpu.vector_load %arg11[%swap3A_281] {strides = array<i32>} : memref<512xi32, #tpu.memory_space<vmem>>, vector<16xi32>,
    %swap3A_283 = vector.shape_cast %swap3A_282 : vector<16xi32> to vector<16xi32>
    %swap3A_284 = vector.shape_cast %min3A_280 : vector<16xi32> to vector<16xi32>
    tpu.vector_store %arg11[%swap3A_281], %swap3A_284 {strides = array<i32>} : memref<512xi32, #tpu.memory_space<vmem>>, vector<16xi32>,
    %get3A_285 = arith.constant 1 : i32
    %get3A_286 = arith.index_cast %get3A_285 : i32 to index
    %get3A_287 = arith.constant 80 : index
    %get3A_288 = tpu.vector_load %arg10[%get3A_286, %get3A_287] {strides = array<i32>} : memref<4x128xi32, #tpu.memory_space<vmem>>, vector<1x16xi32>,
    %get3A_289 = vector.shape_cast %get3A_288 : vector<1x16xi32> to vector<16xi32>
    %jit3A_290 = arith.constant 0 : i32
    %jit3A_291 = arith.constant 16383 : i32
    %max3A_292 = vector.broadcast %jit3A_290 : i32 to vector<16xi32>
    %max3A_293 = arith.maxsi %max3A_292, %get3A_289 : vector<16xi32>
    %min3A_294 = vector.broadcast %jit3A_291 : i32 to vector<16xi32>
    %min3A_295 = arith.minsi %min3A_294, %max3A_293 : vector<16xi32>
    %swap3A_296 = arith.constant 208 : index
    %swap3A_297 = tpu.vector_load %arg11[%swap3A_296] {strides = array<i32>} : memref<512xi32, #tpu.memory_space<vmem>>, vector<16xi32>,
    %swap3A_298 = vector.shape_cast %swap3A_297 : vector<16xi32> to vector<16xi32>
    %swap3A_299 = vector.shape_cast %min3A_295 : vector<16xi32> to vector<16xi32>
    tpu.vector_store %arg11[%swap3A_296], %swap3A_299 {strides = array<i32>} : memref<512xi32, #tpu.memory_space<vmem>>, vector<16xi32>,
    %get3A_300 = arith.constant 1 : i32
    %get3A_301 = arith.index_cast %get3A_300 : i32 to index
    %get3A_302 = arith.constant 96 : index
    %get3A_303 = tpu.vector_load %arg10[%get3A_301, %get3A_302] {strides = array<i32>} : memref<4x128xi32, #tpu.memory_space<vmem>>, vector<1x16xi32>,
    %get3A_304 = vector.shape_cast %get3A_303 : vector<1x16xi32> to vector<16xi32>
    %jit3A_305 = arith.constant 0 : i32
    %jit3A_306 = arith.constant 16383 : i32
    %max3A_307 = vector.broadcast %jit3A_305 : i32 to vector<16xi32>
    %max3A_308 = arith.maxsi %max3A_307, %get3A_304 : vector<16xi32>
    %min3A_309 = vector.broadcast %jit3A_306 : i32 to vector<16xi32>
    %min3A_310 = arith.minsi %min3A_309, %max3A_308 : vector<16xi32>
    %swap3A_311 = arith.constant 224 : index
    %swap3A_312 = tpu.vector_load %arg11[%swap3A_311] {strides = array<i32>} : memref<512xi32, #tpu.memory_space<vmem>>, vector<16xi32>,
    %swap3A_313 = vector.shape_cast %swap3A_312 : vector<16xi32> to vector<16xi32>
    %swap3A_314 = vector.shape_cast %min3A_310 : vector<16xi32> to vector<16xi32>
    tpu.vector_store %arg11[%swap3A_311], %swap3A_314 {strides = array<i32>} : memref<512xi32, #tpu.memory_space<vmem>>, vector<16xi32>,
    %get3A_315 = arith.constant 1 : i32
    %get3A_316 = arith.index_cast %get3A_315 : i32 to index
    %get3A_317 = arith.constant 112 : index
    %get3A_318 = tpu.vector_load %arg10[%get3A_316, %get3A_317] {strides = array<i32>} : memref<4x128xi32, #tpu.memory_space<vmem>>, vector<1x16xi32>,
    %get3A_319 = vector.shape_cast %get3A_318 : vector<1x16xi32> to vector<16xi32>
    %jit3A_320 = arith.constant 0 : i32
    %jit3A_321 = arith.constant 16383 : i32
    %max3A_322 = vector.broadcast %jit3A_320 : i32 to vector<16xi32>
    %max3A_323 = arith.maxsi %max3A_322, %get3A_319 : vector<16xi32>
    %min3A_324 = vector.broadcast %jit3A_321 : i32 to vector<16xi32>
    %min3A_325 = arith.minsi %min3A_324, %max3A_323 : vector<16xi32>
    %swap3A_326 = arith.constant 240 : index
    %swap3A_327 = tpu.vector_load %arg11[%swap3A_326] {strides = array<i32>} : memref<512xi32, #tpu.memory_space<vmem>>, vector<16xi32>,
    %swap3A_328 = vector.shape_cast %swap3A_327 : vector<16xi32> to vector<16xi32>
    %swap3A_329 = vector.shape_cast %min3A_325 : vector<16xi32> to vector<16xi32>
    tpu.vector_store %arg11[%swap3A_326], %swap3A_329 {strides = array<i32>} : memref<512xi32, #tpu.memory_space<vmem>>, vector<16xi32>,
    %get3A_330 = arith.constant 2 : i32
    %get3A_331 = arith.index_cast %get3A_330 : i32 to index
    %get3A_332 = arith.constant 0 : index
    %get3A_333 = tpu.vector_load %arg10[%get3A_331, %get3A_332] {strides = array<i32>} : memref<4x128xi32, #tpu.memory_space<vmem>>, vector<1x16xi32>,
    %get3A_334 = vector.shape_cast %get3A_333 : vector<1x16xi32> to vector<16xi32>
    %jit3A_335 = arith.constant 0 : i32
    %jit3A_336 = arith.constant 16383 : i32
    %max3A_337 = vector.broadcast %jit3A_335 : i32 to vector<16xi32>
    %max3A_338 = arith.maxsi %max3A_337, %get3A_334 : vector<16xi32>
    %min3A_339 = vector.broadcast %jit3A_336 : i32 to vector<16xi32>
    %min3A_340 = arith.minsi %min3A_339, %max3A_338 : vector<16xi32>
    %swap3A_341 = arith.constant 256 : index
    %swap3A_342 = tpu.vector_load %arg11[%swap3A_341] {strides = array<i32>} : memref<512xi32, #tpu.memory_space<vmem>>, vector<16xi32>,
    %swap3A_343 = vector.shape_cast %swap3A_342 : vector<16xi32> to vector<16xi32>
    %swap3A_344 = vector.shape_cast %min3A_340 : vector<16xi32> to vector<16xi32>
    tpu.vector_store %arg11[%swap3A_341], %swap3A_344 {strides = array<i32>} : memref<512xi32, #tpu.memory_space<vmem>>, vector<16xi32>,
    %get3A_345 = arith.constant 2 : i32
    %get3A_346 = arith.index_cast %get3A_345 : i32 to index
    %get3A_347 = arith.constant 16 : index
    %get3A_348 = tpu.vector_load %arg10[%get3A_346, %get3A_347] {strides = array<i32>} : memref<4x128xi32, #tpu.memory_space<vmem>>, vector<1x16xi32>,
    %get3A_349 = vector.shape_cast %get3A_348 : vector<1x16xi32> to vector<16xi32>
    %jit3A_350 = arith.constant 0 : i32
    %jit3A_351 = arith.constant 16383 : i32
    %max3A_352 = vector.broadcast %jit3A_350 : i32 to vector<16xi32>
    %max3A_353 = arith.maxsi %max3A_352, %get3A_349 : vector<16xi32>
    %min3A_354 = vector.broadcast %jit3A_351 : i32 to vector<16xi32>
    %min3A_355 = arith.minsi %min3A_354, %max3A_353 : vector<16xi32>
    %swap3A_356 = arith.constant 272 : index
    %swap3A_357 = tpu.vector_load %arg11[%swap3A_356] {strides = array<i32>} : memref<512xi32, #tpu.memory_space<vmem>>, vector<16xi32>,
    %swap3A_358 = vector.shape_cast %swap3A_357 : vector<16xi32> to vector<16xi32>
    %swap3A_359 = vector.shape_cast %min3A_355 : vector<16xi32> to vector<16xi32>
    tpu.vector_store %arg11[%swap3A_356], %swap3A_359 {strides = array<i32>} : memref<512xi32, #tpu.memory_space<vmem>>, vector<16xi32>,
    %get3A_360 = arith.constant 2 : i32
    %get3A_361 = arith.index_cast %get3A_360 : i32 to index
    %get3A_362 = arith.constant 32 : index
    %get3A_363 = tpu.vector_load %arg10[%get3A_361, %get3A_362] {strides = array<i32>} : memref<4x128xi32, #tpu.memory_space<vmem>>, vector<1x16xi32>,
    %get3A_364 = vector.shape_cast %get3A_363 : vector<1x16xi32> to vector<16xi32>
    %jit3A_365 = arith.constant 0 : i32
    %jit3A_366 = arith.constant 16383 : i32
    %max3A_367 = vector.broadcast %jit3A_365 : i32 to vector<16xi32>
    %max3A_368 = arith.maxsi %max3A_367, %get3A_364 : vector<16xi32>
    %min3A_369 = vector.broadcast %jit3A_366 : i32 to vector<16xi32>
    %min3A_370 = arith.minsi %min3A_369, %max3A_368 : vector<16xi32>
    %swap3A_371 = arith.constant 288 : index
    %swap3A_372 = tpu.vector_load %arg11[%swap3A_371] {strides = array<i32>} : memref<512xi32, #tpu.memory_space<vmem>>, vector<16xi32>,
    %swap3A_373 = vector.shape_cast %swap3A_372 : vector<16xi32> to vector<16xi32>
    %swap3A_374 = vector.shape_cast %min3A_370 : vector<16xi32> to vector<16xi32>
    tpu.vector_store %arg11[%swap3A_371], %swap3A_374 {strides = array<i32>} : memref<512xi32, #tpu.memory_space<vmem>>, vector<16xi32>,
    %get3A_375 = arith.constant 2 : i32
    %get3A_376 = arith.index_cast %get3A_375 : i32 to index
    %get3A_377 = arith.constant 48 : index
    %get3A_378 = tpu.vector_load %arg10[%get3A_376, %get3A_377] {strides = array<i32>} : memref<4x128xi32, #tpu.memory_space<vmem>>, vector<1x16xi32>,
    %get3A_379 = vector.shape_cast %get3A_378 : vector<1x16xi32> to vector<16xi32>
    %jit3A_380 = arith.constant 0 : i32
    %jit3A_381 = arith.constant 16383 : i32
    %max3A_382 = vector.broadcast %jit3A_380 : i32 to vector<16xi32>
    %max3A_383 = arith.maxsi %max3A_382, %get3A_379 : vector<16xi32>
    %min3A_384 = vector.broadcast %jit3A_381 : i32 to vector<16xi32>
    %min3A_385 = arith.minsi %min3A_384, %max3A_383 : vector<16xi32>
    %swap3A_386 = arith.constant 304 : index
    %swap3A_387 = tpu.vector_load %arg11[%swap3A_386] {strides = array<i32>} : memref<512xi32, #tpu.memory_space<vmem>>, vector<16xi32>,
    %swap3A_388 = vector.shape_cast %swap3A_387 : vector<16xi32> to vector<16xi32>
    %swap3A_389 = vector.shape_cast %min3A_385 : vector<16xi32> to vector<16xi32>
    tpu.vector_store %arg11[%swap3A_386], %swap3A_389 {strides = array<i32>} : memref<512xi32, #tpu.memory_space<vmem>>, vector<16xi32>,
    %get3A_390 = arith.constant 2 : i32
    %get3A_391 = arith.index_cast %get3A_390 : i32 to index
    %get3A_392 = arith.constant 64 : index
    %get3A_393 = tpu.vector_load %arg10[%get3A_391, %get3A_392] {strides = array<i32>} : memref<4x128xi32, #tpu.memory_space<vmem>>, vector<1x16xi32>,
    %get3A_394 = vector.shape_cast %get3A_393 : vector<1x16xi32> to vector<16xi32>
    %jit3A_395 = arith.constant 0 : i32
    %jit3A_396 = arith.constant 16383 : i32
    %max3A_397 = vector.broadcast %jit3A_395 : i32 to vector<16xi32>
    %max3A_398 = arith.maxsi %max3A_397, %get3A_394 : vector<16xi32>
    %min3A_399 = vector.broadcast %jit3A_396 : i32 to vector<16xi32>
    %min3A_400 = arith.minsi %min3A_399, %max3A_398 : vector<16xi32>
    %swap3A_401 = arith.constant 320 : index
    %swap3A_402 = tpu.vector_load %arg11[%swap3A_401] {strides = array<i32>} : memref<512xi32, #tpu.memory_space<vmem>>, vector<16xi32>,
    %swap3A_403 = vector.shape_cast %swap3A_402 : vector<16xi32> to vector<16xi32>
    %swap3A_404 = vector.shape_cast %min3A_400 : vector<16xi32> to vector<16xi32>
    tpu.vector_store %arg11[%swap3A_401], %swap3A_404 {strides = array<i32>} : memref<512xi32, #tpu.memory_space<vmem>>, vector<16xi32>,
    %get3A_405 = arith.constant 2 : i32
    %get3A_406 = arith.index_cast %get3A_405 : i32 to index
    %get3A_407 = arith.constant 80 : index
    %get3A_408 = tpu.vector_load %arg10[%get3A_406, %get3A_407] {strides = array<i32>} : memref<4x128xi32, #tpu.memory_space<vmem>>, vector<1x16xi32>,
    %get3A_409 = vector.shape_cast %get3A_408 : vector<1x16xi32> to vector<16xi32>
    %jit3A_410 = arith.constant 0 : i32
    %jit3A_411 = arith.constant 16383 : i32
    %max3A_412 = vector.broadcast %jit3A_410 : i32 to vector<16xi32>
    %max3A_413 = arith.maxsi %max3A_412, %get3A_409 : vector<16xi32>
    %min3A_414 = vector.broadcast %jit3A_411 : i32 to vector<16xi32>
    %min3A_415 = arith.minsi %min3A_414, %max3A_413 : vector<16xi32>
    %swap3A_416 = arith.constant 336 : index
    %swap3A_417 = tpu.vector_load %arg11[%swap3A_416] {strides = array<i32>} : memref<512xi32, #tpu.memory_space<vmem>>, vector<16xi32>,
    %swap3A_418 = vector.shape_cast %swap3A_417 : vector<16xi32> to vector<16xi32>
    %swap3A_419 = vector.shape_cast %min3A_415 : vector<16xi32> to vector<16xi32>
    tpu.vector_store %arg11[%swap3A_416], %swap3A_419 {strides = array<i32>} : memref<512xi32, #tpu.memory_space<vmem>>, vector<16xi32>,
    %get3A_420 = arith.constant 2 : i32
    %get3A_421 = arith.index_cast %get3A_420 : i32 to index
    %get3A_422 = arith.constant 96 : index
    %get3A_423 = tpu.vector_load %arg10[%get3A_421, %get3A_422] {strides = array<i32>} : memref<4x128xi32, #tpu.memory_space<vmem>>, vector<1x16xi32>,
    %get3A_424 = vector.shape_cast %get3A_423 : vector<1x16xi32> to vector<16xi32>
    %jit3A_425 = arith.constant 0 : i32
    %jit3A_426 = arith.constant 16383 : i32
    %max3A_427 = vector.broadcast %jit3A_425 : i32 to vector<16xi32>
    %max3A_428 = arith.maxsi %max3A_427, %get3A_424 : vector<16xi32>
    %min3A_429 = vector.broadcast %jit3A_426 : i32 to vector<16xi32>
    %min3A_430 = arith.minsi %min3A_429, %max3A_428 : vector<16xi32>
    %swap3A_431 = arith.constant 352 : index
    %swap3A_432 = tpu.vector_load %arg11[%swap3A_431] {strides = array<i32>} : memref<512xi32, #tpu.memory_space<vmem>>, vector<16xi32>,
    %swap3A_433 = vector.shape_cast %swap3A_432 : vector<16xi32> to vector<16xi32>
    %swap3A_434 = vector.shape_cast %min3A_430 : vector<16xi32> to vector<16xi32>
    tpu.vector_store %arg11[%swap3A_431], %swap3A_434 {strides = array<i32>} : memref<512xi32, #tpu.memory_space<vmem>>, vector<16xi32>,
    %get3A_435 = arith.constant 2 : i32
    %get3A_436 = arith.index_cast %get3A_435 : i32 to index
    %get3A_437 = arith.constant 112 : index
    %get3A_438 = tpu.vector_load %arg10[%get3A_436, %get3A_437] {strides = array<i32>} : memref<4x128xi32, #tpu.memory_space<vmem>>, vector<1x16xi32>,
    %get3A_439 = vector.shape_cast %get3A_438 : vector<1x16xi32> to vector<16xi32>
    %jit3A_440 = arith.constant 0 : i32
    %jit3A_441 = arith.constant 16383 : i32
    %max3A_442 = vector.broadcast %jit3A_440 : i32 to vector<16xi32>
    %max3A_443 = arith.maxsi %max3A_442, %get3A_439 : vector<16xi32>
    %min3A_444 = vector.broadcast %jit3A_441 : i32 to vector<16xi32>
    %min3A_445 = arith.minsi %min3A_444, %max3A_443 : vector<16xi32>
    %swap3A_446 = arith.constant 368 : index
    %swap3A_447 = tpu.vector_load %arg11[%swap3A_446] {strides = array<i32>} : memref<512xi32, #tpu.memory_space<vmem>>, vector<16xi32>,
    %swap3A_448 = vector.shape_cast %swap3A_447 : vector<16xi32> to vector<16xi32>
    %swap3A_449 = vector.shape_cast %min3A_445 : vector<16xi32> to vector<16xi32>
    tpu.vector_store %arg11[%swap3A_446], %swap3A_449 {strides = array<i32>} : memref<512xi32, #tpu.memory_space<vmem>>, vector<16xi32>,
    %get3A_450 = arith.constant 3 : i32
    %get3A_451 = arith.index_cast %get3A_450 : i32 to index
    %get3A_452 = arith.constant 0 : index
    %get3A_453 = tpu.vector_load %arg10[%get3A_451, %get3A_452] {strides = array<i32>} : memref<4x128xi32, #tpu.memory_space<vmem>>, vector<1x16xi32>,
    %get3A_454 = vector.shape_cast %get3A_453 : vector<1x16xi32> to vector<16xi32>
    %jit3A_455 = arith.constant 0 : i32
    %jit3A_456 = arith.constant 16383 : i32
    %max3A_457 = vector.broadcast %jit3A_455 : i32 to vector<16xi32>
    %max3A_458 = arith.maxsi %max3A_457, %get3A_454 : vector<16xi32>
    %min3A_459 = vector.broadcast %jit3A_456 : i32 to vector<16xi32>
    %min3A_460 = arith.minsi %min3A_459, %max3A_458 : vector<16xi32>
    %swap3A_461 = arith.constant 384 : index
    %swap3A_462 = tpu.vector_load %arg11[%swap3A_461] {strides = array<i32>} : memref<512xi32, #tpu.memory_space<vmem>>, vector<16xi32>,
    %swap3A_463 = vector.shape_cast %swap3A_462 : vector<16xi32> to vector<16xi32>
    %swap3A_464 = vector.shape_cast %min3A_460 : vector<16xi32> to vector<16xi32>
    tpu.vector_store %arg11[%swap3A_461], %swap3A_464 {strides = array<i32>} : memref<512xi32, #tpu.memory_space<vmem>>, vector<16xi32>,
    %get3A_465 = arith.constant 3 : i32
    %get3A_466 = arith.index_cast %get3A_465 : i32 to index
    %get3A_467 = arith.constant 16 : index
    %get3A_468 = tpu.vector_load %arg10[%get3A_466, %get3A_467] {strides = array<i32>} : memref<4x128xi32, #tpu.memory_space<vmem>>, vector<1x16xi32>,
    %get3A_469 = vector.shape_cast %get3A_468 : vector<1x16xi32> to vector<16xi32>
    %jit3A_470 = arith.constant 0 : i32
    %jit3A_471 = arith.constant 16383 : i32
    %max3A_472 = vector.broadcast %jit3A_470 : i32 to vector<16xi32>
    %max3A_473 = arith.maxsi %max3A_472, %get3A_469 : vector<16xi32>
    %min3A_474 = vector.broadcast %jit3A_471 : i32 to vector<16xi32>
    %min3A_475 = arith.minsi %min3A_474, %max3A_473 : vector<16xi32>
    %swap3A_476 = arith.constant 400 : index
    %swap3A_477 = tpu.vector_load %arg11[%swap3A_476] {strides = array<i32>} : memref<512xi32, #tpu.memory_space<vmem>>, vector<16xi32>,
    %swap3A_478 = vector.shape_cast %swap3A_477 : vector<16xi32> to vector<16xi32>
    %swap3A_479 = vector.shape_cast %min3A_475 : vector<16xi32> to vector<16xi32>
    tpu.vector_store %arg11[%swap3A_476], %swap3A_479 {strides = array<i32>} : memref<512xi32, #tpu.memory_space<vmem>>, vector<16xi32>,
    %get3A_480 = arith.constant 3 : i32
    %get3A_481 = arith.index_cast %get3A_480 : i32 to index
    %get3A_482 = arith.constant 32 : index
    %get3A_483 = tpu.vector_load %arg10[%get3A_481, %get3A_482] {strides = array<i32>} : memref<4x128xi32, #tpu.memory_space<vmem>>, vector<1x16xi32>,
    %get3A_484 = vector.shape_cast %get3A_483 : vector<1x16xi32> to vector<16xi32>
    %jit3A_485 = arith.constant 0 : i32
    %jit3A_486 = arith.constant 16383 : i32
    %max3A_487 = vector.broadcast %jit3A_485 : i32 to vector<16xi32>
    %max3A_488 = arith.maxsi %max3A_487, %get3A_484 : vector<16xi32>
    %min3A_489 = vector.broadcast %jit3A_486 : i32 to vector<16xi32>
    %min3A_490 = arith.minsi %min3A_489, %max3A_488 : vector<16xi32>
    %swap3A_491 = arith.constant 416 : index
    %swap3A_492 = tpu.vector_load %arg11[%swap3A_491] {strides = array<i32>} : memref<512xi32, #tpu.memory_space<vmem>>, vector<16xi32>,
    %swap3A_493 = vector.shape_cast %swap3A_492 : vector<16xi32> to vector<16xi32>
    %swap3A_494 = vector.shape_cast %min3A_490 : vector<16xi32> to vector<16xi32>
    tpu.vector_store %arg11[%swap3A_491], %swap3A_494 {strides = array<i32>} : memref<512xi32, #tpu.memory_space<vmem>>, vector<16xi32>,
    %get3A_495 = arith.constant 3 : i32
    %get3A_496 = arith.index_cast %get3A_495 : i32 to index
    %get3A_497 = arith.constant 48 : index
    %get3A_498 = tpu.vector_load %arg10[%get3A_496, %get3A_497] {strides = array<i32>} : memref<4x128xi32, #tpu.memory_space<vmem>>, vector<1x16xi32>,
    %get3A_499 = vector.shape_cast %get3A_498 : vector<1x16xi32> to vector<16xi32>
    %jit3A_500 = arith.constant 0 : i32
    %jit3A_501 = arith.constant 16383 : i32
    %max3A_502 = vector.broadcast %jit3A_500 : i32 to vector<16xi32>
    %max3A_503 = arith.maxsi %max3A_502, %get3A_499 : vector<16xi32>
    %min3A_504 = vector.broadcast %jit3A_501 : i32 to vector<16xi32>
    %min3A_505 = arith.minsi %min3A_504, %max3A_503 : vector<16xi32>
    %swap3A_506 = arith.constant 432 : index
    %swap3A_507 = tpu.vector_load %arg11[%swap3A_506] {strides = array<i32>} : memref<512xi32, #tpu.memory_space<vmem>>, vector<16xi32>,
    %swap3A_508 = vector.shape_cast %swap3A_507 : vector<16xi32> to vector<16xi32>
    %swap3A_509 = vector.shape_cast %min3A_505 : vector<16xi32> to vector<16xi32>
    tpu.vector_store %arg11[%swap3A_506], %swap3A_509 {strides = array<i32>} : memref<512xi32, #tpu.memory_space<vmem>>, vector<16xi32>,
    %get3A_510 = arith.constant 3 : i32
    %get3A_511 = arith.index_cast %get3A_510 : i32 to index
    %get3A_512 = arith.constant 64 : index
    %get3A_513 = tpu.vector_load %arg10[%get3A_511, %get3A_512] {strides = array<i32>} : memref<4x128xi32, #tpu.memory_space<vmem>>, vector<1x16xi32>,
    %get3A_514 = vector.shape_cast %get3A_513 : vector<1x16xi32> to vector<16xi32>
    %jit3A_515 = arith.constant 0 : i32
    %jit3A_516 = arith.constant 16383 : i32
    %max3A_517 = vector.broadcast %jit3A_515 : i32 to vector<16xi32>
    %max3A_518 = arith.maxsi %max3A_517, %get3A_514 : vector<16xi32>
    %min3A_519 = vector.broadcast %jit3A_516 : i32 to vector<16xi32>
    %min3A_520 = arith.minsi %min3A_519, %max3A_518 : vector<16xi32>
    %swap3A_521 = arith.constant 448 : index
    %swap3A_522 = tpu.vector_load %arg11[%swap3A_521] {strides = array<i32>} : memref<512xi32, #tpu.memory_space<vmem>>, vector<16xi32>,
    %swap3A_523 = vector.shape_cast %swap3A_522 : vector<16xi32> to vector<16xi32>
    %swap3A_524 = vector.shape_cast %min3A_520 : vector<16xi32> to vector<16xi32>
    tpu.vector_store %arg11[%swap3A_521], %swap3A_524 {strides = array<i32>} : memref<512xi32, #tpu.memory_space<vmem>>, vector<16xi32>,
    %get3A_525 = arith.constant 3 : i32
    %get3A_526 = arith.index_cast %get3A_525 : i32 to index
    %get3A_527 = arith.constant 80 : index
    %get3A_528 = tpu.vector_load %arg10[%get3A_526, %get3A_527] {strides = array<i32>} : memref<4x128xi32, #tpu.memory_space<vmem>>, vector<1x16xi32>,
    %get3A_529 = vector.shape_cast %get3A_528 : vector<1x16xi32> to vector<16xi32>
    %jit3A_530 = arith.constant 0 : i32
    %jit3A_531 = arith.constant 16383 : i32
    %max3A_532 = vector.broadcast %jit3A_530 : i32 to vector<16xi32>
    %max3A_533 = arith.maxsi %max3A_532, %get3A_529 : vector<16xi32>
    %min3A_534 = vector.broadcast %jit3A_531 : i32 to vector<16xi32>
    %min3A_535 = arith.minsi %min3A_534, %max3A_533 : vector<16xi32>
    %swap3A_536 = arith.constant 464 : index
    %swap3A_537 = tpu.vector_load %arg11[%swap3A_536] {strides = array<i32>} : memref<512xi32, #tpu.memory_space<vmem>>, vector<16xi32>,
    %swap3A_538 = vector.shape_cast %swap3A_537 : vector<16xi32> to vector<16xi32>
    %swap3A_539 = vector.shape_cast %min3A_535 : vector<16xi32> to vector<16xi32>
    tpu.vector_store %arg11[%swap3A_536], %swap3A_539 {strides = array<i32>} : memref<512xi32, #tpu.memory_space<vmem>>, vector<16xi32>,
    %get3A_540 = arith.constant 3 : i32
    %get3A_541 = arith.index_cast %get3A_540 : i32 to index
    %get3A_542 = arith.constant 96 : index
    %get3A_543 = tpu.vector_load %arg10[%get3A_541, %get3A_542] {strides = array<i32>} : memref<4x128xi32, #tpu.memory_space<vmem>>, vector<1x16xi32>,
    %get3A_544 = vector.shape_cast %get3A_543 : vector<1x16xi32> to vector<16xi32>
    %jit3A_545 = arith.constant 0 : i32
    %jit3A_546 = arith.constant 16383 : i32
    %max3A_547 = vector.broadcast %jit3A_545 : i32 to vector<16xi32>
    %max3A_548 = arith.maxsi %max3A_547, %get3A_544 : vector<16xi32>
    %min3A_549 = vector.broadcast %jit3A_546 : i32 to vector<16xi32>
    %min3A_550 = arith.minsi %min3A_549, %max3A_548 : vector<16xi32>
    %swap3A_551 = arith.constant 480 : index
    %swap3A_552 = tpu.vector_load %arg11[%swap3A_551] {strides = array<i32>} : memref<512xi32, #tpu.memory_space<vmem>>, vector<16xi32>,
    %swap3A_553 = vector.shape_cast %swap3A_552 : vector<16xi32> to vector<16xi32>
    %swap3A_554 = vector.shape_cast %min3A_550 : vector<16xi32> to vector<16xi32>
    tpu.vector_store %arg11[%swap3A_551], %swap3A_554 {strides = array<i32>} : memref<512xi32, #tpu.memory_space<vmem>>, vector<16xi32>,
    %get3A_555 = arith.constant 3 : i32
    %get3A_556 = arith.index_cast %get3A_555 : i32 to index
    %get3A_557 = arith.constant 112 : index
    %get3A_558 = tpu.vector_load %arg10[%get3A_556, %get3A_557] {strides = array<i32>} : memref<4x128xi32, #tpu.memory_space<vmem>>, vector<1x16xi32>,
    %get3A_559 = vector.shape_cast %get3A_558 : vector<1x16xi32> to vector<16xi32>
    %jit3A_560 = arith.constant 0 : i32
    %jit3A_561 = arith.constant 16383 : i32
    %max3A_562 = vector.broadcast %jit3A_560 : i32 to vector<16xi32>
    %max3A_563 = arith.maxsi %max3A_562, %get3A_559 : vector<16xi32>
    %min3A_564 = vector.broadcast %jit3A_561 : i32 to vector<16xi32>
    %min3A_565 = arith.minsi %min3A_564, %max3A_563 : vector<16xi32>
    %swap3A_566 = arith.constant 496 : index
    %swap3A_567 = tpu.vector_load %arg11[%swap3A_566] {strides = array<i32>} : memref<512xi32, #tpu.memory_space<vmem>>, vector<16xi32>,
    %swap3A_568 = vector.shape_cast %swap3A_567 : vector<16xi32> to vector<16xi32>
    %swap3A_569 = vector.shape_cast %min3A_565 : vector<16xi32> to vector<16xi32>
    tpu.vector_store %arg11[%swap3A_566], %swap3A_569 {strides = array<i32>} : memref<512xi32, #tpu.memory_space<vmem>>, vector<16xi32>,
    %dma_wait3A_570 = arith.constant 0 : i32
    %dma_wait3A_571 = arith.constant 0 : i32
    %dma_wait3A_572 = tpu.memref_slice %arg2[%dma_wait3A_570, %dma_wait3A_571] : memref<1000000x128xf32, #tpu.memory_space<hbm>> -> memref<1000000x128xf32, #tpu.memory_space<hbm>>
    tpu.wait_indirect_dma semaphore(%arg14 : memref<!tpu.dma_semaphore, #tpu.memory_space<semaphore_mem>>) src(%dma_wait3A_572 : memref<1000000x128xf32, #tpu.memory_space<hbm>>) dst(%arg12 : memref<512x128xf32, #tpu.memory_space<vmem>>)
    "tpu.region"() ({
      %run_scoped3A_579 = tpu.sem_alloc : memref<!tpu.dma_semaphore, #tpu.memory_space<semaphore_mem>>
      %dma_start3A_580 = arith.constant 0 : i32
      %dma_start3A_581 = tpu.memref_slice %arg6[%mul3A_2, %dma_start3A_580] : memref<16384x128xf32, #tpu.memory_space<hbm>> -> memref<512x128xf32, #tpu.memory_space<hbm>>
      %dma_start3A_582 = arith.constant 0 : i32
      %dma_start3A_583 = tpu.memref_slice %arg6[%mul3A_2, %dma_start3A_582] : memref<16384x128xf32, #tpu.memory_space<hbm>> -> memref<512x128xf32, #tpu.memory_space<hbm>>
      tpu.enqueue_dma source(%arg12 : memref<512x128xf32, #tpu.memory_space<vmem>>) target(%dma_start3A_583 : memref<512x128xf32, #tpu.memory_space<hbm>>) target_semaphore(%run_scoped3A_579 : memref<!tpu.dma_semaphore, #tpu.memory_space<semaphore_mem>>)
      %dma_wait3A_584 = arith.constant 0 : i32
      %dma_wait3A_585 = tpu.memref_slice %arg6[%mul3A_2, %dma_wait3A_584] : memref<16384x128xf32, #tpu.memory_space<hbm>> -> memref<512x128xf32, #tpu.memory_space<hbm>>
      %dma_wait3A_586 = arith.constant 0 : i32
      %dma_wait3A_587 = tpu.memref_slice %arg6[%mul3A_2, %dma_wait3A_586] : memref<16384x128xf32, #tpu.memory_space<hbm>> -> memref<512x128xf32, #tpu.memory_space<hbm>>
      tpu.wait_dma2 semaphore(%run_scoped3A_579 : memref<!tpu.dma_semaphore, #tpu.memory_space<semaphore_mem>>) src(%arg12 : memref<512x128xf32, #tpu.memory_space<vmem>>) dst(%dma_wait3A_587 : memref<512x128xf32, #tpu.memory_space<hbm>>)
      tpu.yield
    }) : () -> ()
    %dma_start3A_573 = arith.constant 0 : i32
    %dma_start3A_574 = arith.constant 0 : i32
    %dma_start3A_575 = tpu.memref_slice %arg3[%dma_start3A_573, %dma_start3A_574] : memref<16384x128xf32, #tpu.memory_space<hbm>> -> memref<16384x128xf32, #tpu.memory_space<hbm>>
    tpu.enqueue_indirect_dma source(%dma_start3A_575 : memref<16384x128xf32, #tpu.memory_space<hbm>>) target(%arg12 : memref<512x128xf32, #tpu.memory_space<vmem>>) offsets(%arg11 : memref<512xi32, #tpu.memory_space<vmem>>) semaphore(%arg14 : memref<!tpu.dma_semaphore, #tpu.memory_space<semaphore_mem>>)
    %dma_wait3A_576 = arith.constant 0 : i32
    %dma_wait3A_577 = arith.constant 0 : i32
    %dma_wait3A_578 = tpu.memref_slice %arg3[%dma_wait3A_576, %dma_wait3A_577] : memref<16384x128xf32, #tpu.memory_space<hbm>> -> memref<16384x128xf32, #tpu.memory_space<hbm>>
    tpu.wait_indirect_dma semaphore(%arg14 : memref<!tpu.dma_semaphore, #tpu.memory_space<semaphore_mem>>) src(%dma_wait3A_578 : memref<16384x128xf32, #tpu.memory_space<hbm>>) dst(%arg12 : memref<512x128xf32, #tpu.memory_space<vmem>>)
    "tpu.region"() ({
      %run_scoped3A_579 = tpu.sem_alloc : memref<!tpu.dma_semaphore, #tpu.memory_space<semaphore_mem>>
      %dma_start3A_580 = arith.constant 0 : i32
      %dma_start3A_581 = tpu.memref_slice %arg7[%mul3A_2, %dma_start3A_580] : memref<16384x128xf32, #tpu.memory_space<hbm>> -> memref<512x128xf32, #tpu.memory_space<hbm>>
      %dma_start3A_582 = arith.constant 0 : i32
      %dma_start3A_583 = tpu.memref_slice %arg7[%mul3A_2, %dma_start3A_582] : memref<16384x128xf32, #tpu.memory_space<hbm>> -> memref<512x128xf32, #tpu.memory_space<hbm>>
      tpu.enqueue_dma source(%arg12 : memref<512x128xf32, #tpu.memory_space<vmem>>) target(%dma_start3A_583 : memref<512x128xf32, #tpu.memory_space<hbm>>) target_semaphore(%run_scoped3A_579 : memref<!tpu.dma_semaphore, #tpu.memory_space<semaphore_mem>>)
      %dma_wait3A_584 = arith.constant 0 : i32
      %dma_wait3A_585 = tpu.memref_slice %arg7[%mul3A_2, %dma_wait3A_584] : memref<16384x128xf32, #tpu.memory_space<hbm>> -> memref<512x128xf32, #tpu.memory_space<hbm>>
      %dma_wait3A_586 = arith.constant 0 : i32
      %dma_wait3A_587 = tpu.memref_slice %arg7[%mul3A_2, %dma_wait3A_586] : memref<16384x128xf32, #tpu.memory_space<hbm>> -> memref<512x128xf32, #tpu.memory_space<hbm>>
      tpu.wait_dma2 semaphore(%run_scoped3A_579 : memref<!tpu.dma_semaphore, #tpu.memory_space<semaphore_mem>>) src(%arg12 : memref<512x128xf32, #tpu.memory_space<vmem>>) dst(%dma_wait3A_587 : memref<512x128xf32, #tpu.memory_space<hbm>>)
      tpu.yield
    }) : () -> ()
    return
  }
}

#map = affine_map<(d0, d1) -> (0)>
module attributes {stable_mosaic.version = 14 : i64} {
  func.func @_sc_scatter_body(%arg0: i32, %arg1: i32, %arg2: memref<16384xi32, #tpu.memory_space<hbm>>, %arg3: memref<16384xi32, #tpu.memory_space<hbm>>, %arg4: memref<1000000xi32, #tpu.memory_space<hbm>>, %arg5: memref<4x128xi32, #tpu.memory_space<vmem>>, %arg6: memref<4x128xi32, #tpu.memory_space<vmem>>, %arg7: memref<!tpu.dma_semaphore, #tpu.memory_space<semaphore_mem>>) attributes {dimension_semantics = [#tpu.dimension_semantics<core_parallel>, #tpu.dimension_semantics<subcore_parallel>], iteration_bounds = array<i64: 2, 16>, scalar_prefetch = 0 : i64, scratch_operands = 3 : i64, tpu.core_type = #tpu.core_type<sc_vector_subcore>, window_params = [{transform_indices = #map}, {transform_indices = #map}, {transform_indices = #map}]} {
    %mul3A = arith.constant 2 : i32
    %mul3A_0 = arith.muli %arg1, %mul3A : i32
    %add3A = arith.addi %mul3A_0, %arg0 : i32
    %mul3A_1 = arith.constant 512 : i32
    %mul3A_2 = arith.muli %add3A, %mul3A_1 : i32
    %add3A_3 = arith.constant 0 : i32
    %add3A_4 = arith.addi %mul3A_2, %add3A_3 : i32
    %run_scoped3A = arith.constant 0 : i32
    "tpu.region"() ({
      %run_scoped3A_104 = tpu.sem_alloc : memref<!tpu.dma_semaphore, #tpu.memory_space<semaphore_mem>>
      %dma_start3A_105 = arith.constant 0 : i32
      %dma_start3A_106 = tpu.memref_slice %arg5[%run_scoped3A, %dma_start3A_105] : memref<4x128xi32, #tpu.memory_space<vmem>> -> memref<1x128xi32, #tpu.memory_space<vmem>>
      %dma_start3A_107 = tpu.memref_squeeze %dma_start3A_106 : memref<1x128xi32, #tpu.memory_space<vmem>> -> memref<128xi32, #tpu.memory_space<vmem>>
      %dma_start3A_108 = tpu.memref_slice %arg2[%add3A_4] : memref<16384xi32, #tpu.memory_space<hbm>> -> memref<128xi32, #tpu.memory_space<hbm>>
      %dma_start3A_109 = arith.constant 0 : i32
      %dma_start3A_110 = tpu.memref_slice %arg5[%run_scoped3A, %dma_start3A_109] : memref<4x128xi32, #tpu.memory_space<vmem>> -> memref<1x128xi32, #tpu.memory_space<vmem>>
      %dma_start3A_111 = tpu.memref_squeeze %dma_start3A_110 : memref<1x128xi32, #tpu.memory_space<vmem>> -> memref<128xi32, #tpu.memory_space<vmem>>
      %dma_start3A_112 = tpu.memref_slice %arg2[%add3A_4] : memref<16384xi32, #tpu.memory_space<hbm>> -> memref<128xi32, #tpu.memory_space<hbm>>
      tpu.enqueue_dma source(%dma_start3A_112 : memref<128xi32, #tpu.memory_space<hbm>>) target(%dma_start3A_111 : memref<128xi32, #tpu.memory_space<vmem>>) target_semaphore(%run_scoped3A_104 : memref<!tpu.dma_semaphore, #tpu.memory_space<semaphore_mem>>)
      %dma_wait3A_113 = arith.constant 0 : i32
      %dma_wait3A_114 = tpu.memref_slice %arg5[%run_scoped3A, %dma_wait3A_113] : memref<4x128xi32, #tpu.memory_space<vmem>> -> memref<1x128xi32, #tpu.memory_space<vmem>>
      %dma_wait3A_115 = tpu.memref_squeeze %dma_wait3A_114 : memref<1x128xi32, #tpu.memory_space<vmem>> -> memref<128xi32, #tpu.memory_space<vmem>>
      %dma_wait3A_116 = tpu.memref_slice %arg2[%add3A_4] : memref<16384xi32, #tpu.memory_space<hbm>> -> memref<128xi32, #tpu.memory_space<hbm>>
      %dma_wait3A_117 = arith.constant 0 : i32
      %dma_wait3A_118 = tpu.memref_slice %arg5[%run_scoped3A, %dma_wait3A_117] : memref<4x128xi32, #tpu.memory_space<vmem>> -> memref<1x128xi32, #tpu.memory_space<vmem>>
      %dma_wait3A_119 = tpu.memref_squeeze %dma_wait3A_118 : memref<1x128xi32, #tpu.memory_space<vmem>> -> memref<128xi32, #tpu.memory_space<vmem>>
      %dma_wait3A_120 = tpu.memref_slice %arg2[%add3A_4] : memref<16384xi32, #tpu.memory_space<hbm>> -> memref<128xi32, #tpu.memory_space<hbm>>
      tpu.wait_dma2 semaphore(%run_scoped3A_104 : memref<!tpu.dma_semaphore, #tpu.memory_space<semaphore_mem>>) src(%dma_wait3A_120 : memref<128xi32, #tpu.memory_space<hbm>>) dst(%dma_wait3A_119 : memref<128xi32, #tpu.memory_space<vmem>>)
      tpu.yield
    }) : () -> ()
    %add3A_5 = arith.constant 0 : i32
    %add3A_6 = arith.addi %mul3A_2, %add3A_5 : i32
    %run_scoped3A_7 = arith.constant 0 : i32
    "tpu.region"() ({
      %run_scoped3A_104 = tpu.sem_alloc : memref<!tpu.dma_semaphore, #tpu.memory_space<semaphore_mem>>
      %dma_start3A_105 = arith.constant 0 : i32
      %dma_start3A_106 = tpu.memref_slice %arg6[%run_scoped3A_7, %dma_start3A_105] : memref<4x128xi32, #tpu.memory_space<vmem>> -> memref<1x128xi32, #tpu.memory_space<vmem>>
      %dma_start3A_107 = tpu.memref_squeeze %dma_start3A_106 : memref<1x128xi32, #tpu.memory_space<vmem>> -> memref<128xi32, #tpu.memory_space<vmem>>
      %dma_start3A_108 = tpu.memref_slice %arg3[%add3A_6] : memref<16384xi32, #tpu.memory_space<hbm>> -> memref<128xi32, #tpu.memory_space<hbm>>
      %dma_start3A_109 = arith.constant 0 : i32
      %dma_start3A_110 = tpu.memref_slice %arg6[%run_scoped3A_7, %dma_start3A_109] : memref<4x128xi32, #tpu.memory_space<vmem>> -> memref<1x128xi32, #tpu.memory_space<vmem>>
      %dma_start3A_111 = tpu.memref_squeeze %dma_start3A_110 : memref<1x128xi32, #tpu.memory_space<vmem>> -> memref<128xi32, #tpu.memory_space<vmem>>
      %dma_start3A_112 = tpu.memref_slice %arg3[%add3A_6] : memref<16384xi32, #tpu.memory_space<hbm>> -> memref<128xi32, #tpu.memory_space<hbm>>
      tpu.enqueue_dma source(%dma_start3A_112 : memref<128xi32, #tpu.memory_space<hbm>>) target(%dma_start3A_111 : memref<128xi32, #tpu.memory_space<vmem>>) target_semaphore(%run_scoped3A_104 : memref<!tpu.dma_semaphore, #tpu.memory_space<semaphore_mem>>)
      %dma_wait3A_113 = arith.constant 0 : i32
      %dma_wait3A_114 = tpu.memref_slice %arg6[%run_scoped3A_7, %dma_wait3A_113] : memref<4x128xi32, #tpu.memory_space<vmem>> -> memref<1x128xi32, #tpu.memory_space<vmem>>
      %dma_wait3A_115 = tpu.memref_squeeze %dma_wait3A_114 : memref<1x128xi32, #tpu.memory_space<vmem>> -> memref<128xi32, #tpu.memory_space<vmem>>
      %dma_wait3A_116 = tpu.memref_slice %arg3[%add3A_6] : memref<16384xi32, #tpu.memory_space<hbm>> -> memref<128xi32, #tpu.memory_space<hbm>>
      %dma_wait3A_117 = arith.constant 0 : i32
      %dma_wait3A_118 = tpu.memref_slice %arg6[%run_scoped3A_7, %dma_wait3A_117] : memref<4x128xi32, #tpu.memory_space<vmem>> -> memref<1x128xi32, #tpu.memory_space<vmem>>
      %dma_wait3A_119 = tpu.memref_squeeze %dma_wait3A_118 : memref<1x128xi32, #tpu.memory_space<vmem>> -> memref<128xi32, #tpu.memory_space<vmem>>
      %dma_wait3A_120 = tpu.memref_slice %arg3[%add3A_6] : memref<16384xi32, #tpu.memory_space<hbm>> -> memref<128xi32, #tpu.memory_space<hbm>>
      tpu.wait_dma2 semaphore(%run_scoped3A_104 : memref<!tpu.dma_semaphore, #tpu.memory_space<semaphore_mem>>) src(%dma_wait3A_120 : memref<128xi32, #tpu.memory_space<hbm>>) dst(%dma_wait3A_119 : memref<128xi32, #tpu.memory_space<vmem>>)
      tpu.yield
    }) : () -> ()
    %add3A_8 = arith.constant 128 : i32
    %add3A_9 = arith.addi %mul3A_2, %add3A_8 : i32
    %run_scoped3A_10 = arith.constant 1 : i32
    "tpu.region"() ({
      %run_scoped3A_104 = tpu.sem_alloc : memref<!tpu.dma_semaphore, #tpu.memory_space<semaphore_mem>>
      %dma_start3A_105 = arith.constant 0 : i32
      %dma_start3A_106 = tpu.memref_slice %arg5[%run_scoped3A_10, %dma_start3A_105] : memref<4x128xi32, #tpu.memory_space<vmem>> -> memref<1x128xi32, #tpu.memory_space<vmem>>
      %dma_start3A_107 = tpu.memref_squeeze %dma_start3A_106 : memref<1x128xi32, #tpu.memory_space<vmem>> -> memref<128xi32, #tpu.memory_space<vmem>>
      %dma_start3A_108 = tpu.memref_slice %arg2[%add3A_9] : memref<16384xi32, #tpu.memory_space<hbm>> -> memref<128xi32, #tpu.memory_space<hbm>>
      %dma_start3A_109 = arith.constant 0 : i32
      %dma_start3A_110 = tpu.memref_slice %arg5[%run_scoped3A_10, %dma_start3A_109] : memref<4x128xi32, #tpu.memory_space<vmem>> -> memref<1x128xi32, #tpu.memory_space<vmem>>
      %dma_start3A_111 = tpu.memref_squeeze %dma_start3A_110 : memref<1x128xi32, #tpu.memory_space<vmem>> -> memref<128xi32, #tpu.memory_space<vmem>>
      %dma_start3A_112 = tpu.memref_slice %arg2[%add3A_9] : memref<16384xi32, #tpu.memory_space<hbm>> -> memref<128xi32, #tpu.memory_space<hbm>>
      tpu.enqueue_dma source(%dma_start3A_112 : memref<128xi32, #tpu.memory_space<hbm>>) target(%dma_start3A_111 : memref<128xi32, #tpu.memory_space<vmem>>) target_semaphore(%run_scoped3A_104 : memref<!tpu.dma_semaphore, #tpu.memory_space<semaphore_mem>>)
      %dma_wait3A_113 = arith.constant 0 : i32
      %dma_wait3A_114 = tpu.memref_slice %arg5[%run_scoped3A_10, %dma_wait3A_113] : memref<4x128xi32, #tpu.memory_space<vmem>> -> memref<1x128xi32, #tpu.memory_space<vmem>>
      %dma_wait3A_115 = tpu.memref_squeeze %dma_wait3A_114 : memref<1x128xi32, #tpu.memory_space<vmem>> -> memref<128xi32, #tpu.memory_space<vmem>>
      %dma_wait3A_116 = tpu.memref_slice %arg2[%add3A_9] : memref<16384xi32, #tpu.memory_space<hbm>> -> memref<128xi32, #tpu.memory_space<hbm>>
      %dma_wait3A_117 = arith.constant 0 : i32
      %dma_wait3A_118 = tpu.memref_slice %arg5[%run_scoped3A_10, %dma_wait3A_117] : memref<4x128xi32, #tpu.memory_space<vmem>> -> memref<1x128xi32, #tpu.memory_space<vmem>>
      %dma_wait3A_119 = tpu.memref_squeeze %dma_wait3A_118 : memref<1x128xi32, #tpu.memory_space<vmem>> -> memref<128xi32, #tpu.memory_space<vmem>>
      %dma_wait3A_120 = tpu.memref_slice %arg2[%add3A_9] : memref<16384xi32, #tpu.memory_space<hbm>> -> memref<128xi32, #tpu.memory_space<hbm>>
      tpu.wait_dma2 semaphore(%run_scoped3A_104 : memref<!tpu.dma_semaphore, #tpu.memory_space<semaphore_mem>>) src(%dma_wait3A_120 : memref<128xi32, #tpu.memory_space<hbm>>) dst(%dma_wait3A_119 : memref<128xi32, #tpu.memory_space<vmem>>)
      tpu.yield
    }) : () -> ()
    %add3A_11 = arith.constant 128 : i32
    %add3A_12 = arith.addi %mul3A_2, %add3A_11 : i32
    %run_scoped3A_13 = arith.constant 1 : i32
    "tpu.region"() ({
      %run_scoped3A_104 = tpu.sem_alloc : memref<!tpu.dma_semaphore, #tpu.memory_space<semaphore_mem>>
      %dma_start3A_105 = arith.constant 0 : i32
      %dma_start3A_106 = tpu.memref_slice %arg6[%run_scoped3A_13, %dma_start3A_105] : memref<4x128xi32, #tpu.memory_space<vmem>> -> memref<1x128xi32, #tpu.memory_space<vmem>>
      %dma_start3A_107 = tpu.memref_squeeze %dma_start3A_106 : memref<1x128xi32, #tpu.memory_space<vmem>> -> memref<128xi32, #tpu.memory_space<vmem>>
      %dma_start3A_108 = tpu.memref_slice %arg3[%add3A_12] : memref<16384xi32, #tpu.memory_space<hbm>> -> memref<128xi32, #tpu.memory_space<hbm>>
      %dma_start3A_109 = arith.constant 0 : i32
      %dma_start3A_110 = tpu.memref_slice %arg6[%run_scoped3A_13, %dma_start3A_109] : memref<4x128xi32, #tpu.memory_space<vmem>> -> memref<1x128xi32, #tpu.memory_space<vmem>>
      %dma_start3A_111 = tpu.memref_squeeze %dma_start3A_110 : memref<1x128xi32, #tpu.memory_space<vmem>> -> memref<128xi32, #tpu.memory_space<vmem>>
      %dma_start3A_112 = tpu.memref_slice %arg3[%add3A_12] : memref<16384xi32, #tpu.memory_space<hbm>> -> memref<128xi32, #tpu.memory_space<hbm>>
      tpu.enqueue_dma source(%dma_start3A_112 : memref<128xi32, #tpu.memory_space<hbm>>) target(%dma_start3A_111 : memref<128xi32, #tpu.memory_space<vmem>>) target_semaphore(%run_scoped3A_104 : memref<!tpu.dma_semaphore, #tpu.memory_space<semaphore_mem>>)
      %dma_wait3A_113 = arith.constant 0 : i32
      %dma_wait3A_114 = tpu.memref_slice %arg6[%run_scoped3A_13, %dma_wait3A_113] : memref<4x128xi32, #tpu.memory_space<vmem>> -> memref<1x128xi32, #tpu.memory_space<vmem>>
      %dma_wait3A_115 = tpu.memref_squeeze %dma_wait3A_114 : memref<1x128xi32, #tpu.memory_space<vmem>> -> memref<128xi32, #tpu.memory_space<vmem>>
      %dma_wait3A_116 = tpu.memref_slice %arg3[%add3A_12] : memref<16384xi32, #tpu.memory_space<hbm>> -> memref<128xi32, #tpu.memory_space<hbm>>
      %dma_wait3A_117 = arith.constant 0 : i32
      %dma_wait3A_118 = tpu.memref_slice %arg6[%run_scoped3A_13, %dma_wait3A_117] : memref<4x128xi32, #tpu.memory_space<vmem>> -> memref<1x128xi32, #tpu.memory_space<vmem>>
      %dma_wait3A_119 = tpu.memref_squeeze %dma_wait3A_118 : memref<1x128xi32, #tpu.memory_space<vmem>> -> memref<128xi32, #tpu.memory_space<vmem>>
      %dma_wait3A_120 = tpu.memref_slice %arg3[%add3A_12] : memref<16384xi32, #tpu.memory_space<hbm>> -> memref<128xi32, #tpu.memory_space<hbm>>
      tpu.wait_dma2 semaphore(%run_scoped3A_104 : memref<!tpu.dma_semaphore, #tpu.memory_space<semaphore_mem>>) src(%dma_wait3A_120 : memref<128xi32, #tpu.memory_space<hbm>>) dst(%dma_wait3A_119 : memref<128xi32, #tpu.memory_space<vmem>>)
      tpu.yield
    }) : () -> ()
    %add3A_14 = arith.constant 256 : i32
    %add3A_15 = arith.addi %mul3A_2, %add3A_14 : i32
    %run_scoped3A_16 = arith.constant 2 : i32
    "tpu.region"() ({
      %run_scoped3A_104 = tpu.sem_alloc : memref<!tpu.dma_semaphore, #tpu.memory_space<semaphore_mem>>
      %dma_start3A_105 = arith.constant 0 : i32
      %dma_start3A_106 = tpu.memref_slice %arg5[%run_scoped3A_16, %dma_start3A_105] : memref<4x128xi32, #tpu.memory_space<vmem>> -> memref<1x128xi32, #tpu.memory_space<vmem>>
      %dma_start3A_107 = tpu.memref_squeeze %dma_start3A_106 : memref<1x128xi32, #tpu.memory_space<vmem>> -> memref<128xi32, #tpu.memory_space<vmem>>
      %dma_start3A_108 = tpu.memref_slice %arg2[%add3A_15] : memref<16384xi32, #tpu.memory_space<hbm>> -> memref<128xi32, #tpu.memory_space<hbm>>
      %dma_start3A_109 = arith.constant 0 : i32
      %dma_start3A_110 = tpu.memref_slice %arg5[%run_scoped3A_16, %dma_start3A_109] : memref<4x128xi32, #tpu.memory_space<vmem>> -> memref<1x128xi32, #tpu.memory_space<vmem>>
      %dma_start3A_111 = tpu.memref_squeeze %dma_start3A_110 : memref<1x128xi32, #tpu.memory_space<vmem>> -> memref<128xi32, #tpu.memory_space<vmem>>
      %dma_start3A_112 = tpu.memref_slice %arg2[%add3A_15] : memref<16384xi32, #tpu.memory_space<hbm>> -> memref<128xi32, #tpu.memory_space<hbm>>
      tpu.enqueue_dma source(%dma_start3A_112 : memref<128xi32, #tpu.memory_space<hbm>>) target(%dma_start3A_111 : memref<128xi32, #tpu.memory_space<vmem>>) target_semaphore(%run_scoped3A_104 : memref<!tpu.dma_semaphore, #tpu.memory_space<semaphore_mem>>)
      %dma_wait3A_113 = arith.constant 0 : i32
      %dma_wait3A_114 = tpu.memref_slice %arg5[%run_scoped3A_16, %dma_wait3A_113] : memref<4x128xi32, #tpu.memory_space<vmem>> -> memref<1x128xi32, #tpu.memory_space<vmem>>
      %dma_wait3A_115 = tpu.memref_squeeze %dma_wait3A_114 : memref<1x128xi32, #tpu.memory_space<vmem>> -> memref<128xi32, #tpu.memory_space<vmem>>
      %dma_wait3A_116 = tpu.memref_slice %arg2[%add3A_15] : memref<16384xi32, #tpu.memory_space<hbm>> -> memref<128xi32, #tpu.memory_space<hbm>>
      %dma_wait3A_117 = arith.constant 0 : i32
      %dma_wait3A_118 = tpu.memref_slice %arg5[%run_scoped3A_16, %dma_wait3A_117] : memref<4x128xi32, #tpu.memory_space<vmem>> -> memref<1x128xi32, #tpu.memory_space<vmem>>
      %dma_wait3A_119 = tpu.memref_squeeze %dma_wait3A_118 : memref<1x128xi32, #tpu.memory_space<vmem>> -> memref<128xi32, #tpu.memory_space<vmem>>
      %dma_wait3A_120 = tpu.memref_slice %arg2[%add3A_15] : memref<16384xi32, #tpu.memory_space<hbm>> -> memref<128xi32, #tpu.memory_space<hbm>>
      tpu.wait_dma2 semaphore(%run_scoped3A_104 : memref<!tpu.dma_semaphore, #tpu.memory_space<semaphore_mem>>) src(%dma_wait3A_120 : memref<128xi32, #tpu.memory_space<hbm>>) dst(%dma_wait3A_119 : memref<128xi32, #tpu.memory_space<vmem>>)
      tpu.yield
    }) : () -> ()
    %add3A_17 = arith.constant 256 : i32
    %add3A_18 = arith.addi %mul3A_2, %add3A_17 : i32
    %run_scoped3A_19 = arith.constant 2 : i32
    "tpu.region"() ({
      %run_scoped3A_104 = tpu.sem_alloc : memref<!tpu.dma_semaphore, #tpu.memory_space<semaphore_mem>>
      %dma_start3A_105 = arith.constant 0 : i32
      %dma_start3A_106 = tpu.memref_slice %arg6[%run_scoped3A_19, %dma_start3A_105] : memref<4x128xi32, #tpu.memory_space<vmem>> -> memref<1x128xi32, #tpu.memory_space<vmem>>
      %dma_start3A_107 = tpu.memref_squeeze %dma_start3A_106 : memref<1x128xi32, #tpu.memory_space<vmem>> -> memref<128xi32, #tpu.memory_space<vmem>>
      %dma_start3A_108 = tpu.memref_slice %arg3[%add3A_18] : memref<16384xi32, #tpu.memory_space<hbm>> -> memref<128xi32, #tpu.memory_space<hbm>>
      %dma_start3A_109 = arith.constant 0 : i32
      %dma_start3A_110 = tpu.memref_slice %arg6[%run_scoped3A_19, %dma_start3A_109] : memref<4x128xi32, #tpu.memory_space<vmem>> -> memref<1x128xi32, #tpu.memory_space<vmem>>
      %dma_start3A_111 = tpu.memref_squeeze %dma_start3A_110 : memref<1x128xi32, #tpu.memory_space<vmem>> -> memref<128xi32, #tpu.memory_space<vmem>>
      %dma_start3A_112 = tpu.memref_slice %arg3[%add3A_18] : memref<16384xi32, #tpu.memory_space<hbm>> -> memref<128xi32, #tpu.memory_space<hbm>>
      tpu.enqueue_dma source(%dma_start3A_112 : memref<128xi32, #tpu.memory_space<hbm>>) target(%dma_start3A_111 : memref<128xi32, #tpu.memory_space<vmem>>) target_semaphore(%run_scoped3A_104 : memref<!tpu.dma_semaphore, #tpu.memory_space<semaphore_mem>>)
      %dma_wait3A_113 = arith.constant 0 : i32
      %dma_wait3A_114 = tpu.memref_slice %arg6[%run_scoped3A_19, %dma_wait3A_113] : memref<4x128xi32, #tpu.memory_space<vmem>> -> memref<1x128xi32, #tpu.memory_space<vmem>>
      %dma_wait3A_115 = tpu.memref_squeeze %dma_wait3A_114 : memref<1x128xi32, #tpu.memory_space<vmem>> -> memref<128xi32, #tpu.memory_space<vmem>>
      %dma_wait3A_116 = tpu.memref_slice %arg3[%add3A_18] : memref<16384xi32, #tpu.memory_space<hbm>> -> memref<128xi32, #tpu.memory_space<hbm>>
      %dma_wait3A_117 = arith.constant 0 : i32
      %dma_wait3A_118 = tpu.memref_slice %arg6[%run_scoped3A_19, %dma_wait3A_117] : memref<4x128xi32, #tpu.memory_space<vmem>> -> memref<1x128xi32, #tpu.memory_space<vmem>>
      %dma_wait3A_119 = tpu.memref_squeeze %dma_wait3A_118 : memref<1x128xi32, #tpu.memory_space<vmem>> -> memref<128xi32, #tpu.memory_space<vmem>>
      %dma_wait3A_120 = tpu.memref_slice %arg3[%add3A_18] : memref<16384xi32, #tpu.memory_space<hbm>> -> memref<128xi32, #tpu.memory_space<hbm>>
      tpu.wait_dma2 semaphore(%run_scoped3A_104 : memref<!tpu.dma_semaphore, #tpu.memory_space<semaphore_mem>>) src(%dma_wait3A_120 : memref<128xi32, #tpu.memory_space<hbm>>) dst(%dma_wait3A_119 : memref<128xi32, #tpu.memory_space<vmem>>)
      tpu.yield
    }) : () -> ()
    %add3A_20 = arith.constant 384 : i32
    %add3A_21 = arith.addi %mul3A_2, %add3A_20 : i32
    %run_scoped3A_22 = arith.constant 3 : i32
    "tpu.region"() ({
      %run_scoped3A_104 = tpu.sem_alloc : memref<!tpu.dma_semaphore, #tpu.memory_space<semaphore_mem>>
      %dma_start3A_105 = arith.constant 0 : i32
      %dma_start3A_106 = tpu.memref_slice %arg5[%run_scoped3A_22, %dma_start3A_105] : memref<4x128xi32, #tpu.memory_space<vmem>> -> memref<1x128xi32, #tpu.memory_space<vmem>>
      %dma_start3A_107 = tpu.memref_squeeze %dma_start3A_106 : memref<1x128xi32, #tpu.memory_space<vmem>> -> memref<128xi32, #tpu.memory_space<vmem>>
      %dma_start3A_108 = tpu.memref_slice %arg2[%add3A_21] : memref<16384xi32, #tpu.memory_space<hbm>> -> memref<128xi32, #tpu.memory_space<hbm>>
      %dma_start3A_109 = arith.constant 0 : i32
      %dma_start3A_110 = tpu.memref_slice %arg5[%run_scoped3A_22, %dma_start3A_109] : memref<4x128xi32, #tpu.memory_space<vmem>> -> memref<1x128xi32, #tpu.memory_space<vmem>>
      %dma_start3A_111 = tpu.memref_squeeze %dma_start3A_110 : memref<1x128xi32, #tpu.memory_space<vmem>> -> memref<128xi32, #tpu.memory_space<vmem>>
      %dma_start3A_112 = tpu.memref_slice %arg2[%add3A_21] : memref<16384xi32, #tpu.memory_space<hbm>> -> memref<128xi32, #tpu.memory_space<hbm>>
      tpu.enqueue_dma source(%dma_start3A_112 : memref<128xi32, #tpu.memory_space<hbm>>) target(%dma_start3A_111 : memref<128xi32, #tpu.memory_space<vmem>>) target_semaphore(%run_scoped3A_104 : memref<!tpu.dma_semaphore, #tpu.memory_space<semaphore_mem>>)
      %dma_wait3A_113 = arith.constant 0 : i32
      %dma_wait3A_114 = tpu.memref_slice %arg5[%run_scoped3A_22, %dma_wait3A_113] : memref<4x128xi32, #tpu.memory_space<vmem>> -> memref<1x128xi32, #tpu.memory_space<vmem>>
      %dma_wait3A_115 = tpu.memref_squeeze %dma_wait3A_114 : memref<1x128xi32, #tpu.memory_space<vmem>> -> memref<128xi32, #tpu.memory_space<vmem>>
      %dma_wait3A_116 = tpu.memref_slice %arg2[%add3A_21] : memref<16384xi32, #tpu.memory_space<hbm>> -> memref<128xi32, #tpu.memory_space<hbm>>
      %dma_wait3A_117 = arith.constant 0 : i32
      %dma_wait3A_118 = tpu.memref_slice %arg5[%run_scoped3A_22, %dma_wait3A_117] : memref<4x128xi32, #tpu.memory_space<vmem>> -> memref<1x128xi32, #tpu.memory_space<vmem>>
      %dma_wait3A_119 = tpu.memref_squeeze %dma_wait3A_118 : memref<1x128xi32, #tpu.memory_space<vmem>> -> memref<128xi32, #tpu.memory_space<vmem>>
      %dma_wait3A_120 = tpu.memref_slice %arg2[%add3A_21] : memref<16384xi32, #tpu.memory_space<hbm>> -> memref<128xi32, #tpu.memory_space<hbm>>
      tpu.wait_dma2 semaphore(%run_scoped3A_104 : memref<!tpu.dma_semaphore, #tpu.memory_space<semaphore_mem>>) src(%dma_wait3A_120 : memref<128xi32, #tpu.memory_space<hbm>>) dst(%dma_wait3A_119 : memref<128xi32, #tpu.memory_space<vmem>>)
      tpu.yield
    }) : () -> ()
    %add3A_23 = arith.constant 384 : i32
    %add3A_24 = arith.addi %mul3A_2, %add3A_23 : i32
    %run_scoped3A_25 = arith.constant 3 : i32
    "tpu.region"() ({
      %run_scoped3A_104 = tpu.sem_alloc : memref<!tpu.dma_semaphore, #tpu.memory_space<semaphore_mem>>
      %dma_start3A_105 = arith.constant 0 : i32
      %dma_start3A_106 = tpu.memref_slice %arg6[%run_scoped3A_25, %dma_start3A_105] : memref<4x128xi32, #tpu.memory_space<vmem>> -> memref<1x128xi32, #tpu.memory_space<vmem>>
      %dma_start3A_107 = tpu.memref_squeeze %dma_start3A_106 : memref<1x128xi32, #tpu.memory_space<vmem>> -> memref<128xi32, #tpu.memory_space<vmem>>
      %dma_start3A_108 = tpu.memref_slice %arg3[%add3A_24] : memref<16384xi32, #tpu.memory_space<hbm>> -> memref<128xi32, #tpu.memory_space<hbm>>
      %dma_start3A_109 = arith.constant 0 : i32
      %dma_start3A_110 = tpu.memref_slice %arg6[%run_scoped3A_25, %dma_start3A_109] : memref<4x128xi32, #tpu.memory_space<vmem>> -> memref<1x128xi32, #tpu.memory_space<vmem>>
      %dma_start3A_111 = tpu.memref_squeeze %dma_start3A_110 : memref<1x128xi32, #tpu.memory_space<vmem>> -> memref<128xi32, #tpu.memory_space<vmem>>
      %dma_start3A_112 = tpu.memref_slice %arg3[%add3A_24] : memref<16384xi32, #tpu.memory_space<hbm>> -> memref<128xi32, #tpu.memory_space<hbm>>
      tpu.enqueue_dma source(%dma_start3A_112 : memref<128xi32, #tpu.memory_space<hbm>>) target(%dma_start3A_111 : memref<128xi32, #tpu.memory_space<vmem>>) target_semaphore(%run_scoped3A_104 : memref<!tpu.dma_semaphore, #tpu.memory_space<semaphore_mem>>)
      %dma_wait3A_113 = arith.constant 0 : i32
      %dma_wait3A_114 = tpu.memref_slice %arg6[%run_scoped3A_25, %dma_wait3A_113] : memref<4x128xi32, #tpu.memory_space<vmem>> -> memref<1x128xi32, #tpu.memory_space<vmem>>
      %dma_wait3A_115 = tpu.memref_squeeze %dma_wait3A_114 : memref<1x128xi32, #tpu.memory_space<vmem>> -> memref<128xi32, #tpu.memory_space<vmem>>
      %dma_wait3A_116 = tpu.memref_slice %arg3[%add3A_24] : memref<16384xi32, #tpu.memory_space<hbm>> -> memref<128xi32, #tpu.memory_space<hbm>>
      %dma_wait3A_117 = arith.constant 0 : i32
      %dma_wait3A_118 = tpu.memref_slice %arg6[%run_scoped3A_25, %dma_wait3A_117] : memref<4x128xi32, #tpu.memory_space<vmem>> -> memref<1x128xi32, #tpu.memory_space<vmem>>
      %dma_wait3A_119 = tpu.memref_squeeze %dma_wait3A_118 : memref<1x128xi32, #tpu.memory_space<vmem>> -> memref<128xi32, #tpu.memory_space<vmem>>
      %dma_wait3A_120 = tpu.memref_slice %arg3[%add3A_24] : memref<16384xi32, #tpu.memory_space<hbm>> -> memref<128xi32, #tpu.memory_space<hbm>>
      tpu.wait_dma2 semaphore(%run_scoped3A_104 : memref<!tpu.dma_semaphore, #tpu.memory_space<semaphore_mem>>) src(%dma_wait3A_120 : memref<128xi32, #tpu.memory_space<hbm>>) dst(%dma_wait3A_119 : memref<128xi32, #tpu.memory_space<vmem>>)
      tpu.yield
    }) : () -> ()
    %dma_start3A = arith.constant 0 : i32
    %dma_start3A_26 = arith.constant 0 : i32
    %dma_start3A_27 = arith.constant 0 : i32
    %dma_start3A_28 = tpu.memref_slice %arg6[%dma_start3A, %dma_start3A_27] : memref<4x128xi32, #tpu.memory_space<vmem>> -> memref<1x128xi32, #tpu.memory_space<vmem>>
    %dma_start3A_29 = tpu.memref_squeeze %dma_start3A_28 : memref<1x128xi32, #tpu.memory_space<vmem>> -> memref<128xi32, #tpu.memory_space<vmem>>
    %dma_start3A_30 = arith.constant 0 : i32
    %dma_start3A_31 = tpu.memref_slice %arg5[%dma_start3A_26, %dma_start3A_30] : memref<4x128xi32, #tpu.memory_space<vmem>> -> memref<1x128xi32, #tpu.memory_space<vmem>>
    %dma_start3A_32 = tpu.memref_squeeze %dma_start3A_31 : memref<1x128xi32, #tpu.memory_space<vmem>> -> memref<128xi32, #tpu.memory_space<vmem>>
    %dma_start3A_33 = arith.constant 0 : i32
    %dma_start3A_34 = tpu.memref_slice %arg4[%dma_start3A_33] : memref<1000000xi32, #tpu.memory_space<hbm>> -> memref<1000000xi32, #tpu.memory_space<hbm>>
    tpu.enqueue_indirect_dma source(%dma_start3A_29 : memref<128xi32, #tpu.memory_space<vmem>>) target(%dma_start3A_34 : memref<1000000xi32, #tpu.memory_space<hbm>>) offsets(%dma_start3A_32 : memref<128xi32, #tpu.memory_space<vmem>>) semaphore(%arg7 : memref<!tpu.dma_semaphore, #tpu.memory_space<semaphore_mem>>)
    %dma_start3A_35 = arith.constant 1 : i32
    %dma_start3A_36 = arith.constant 1 : i32
    %dma_start3A_37 = arith.constant 0 : i32
    %dma_start3A_38 = tpu.memref_slice %arg6[%dma_start3A_35, %dma_start3A_37] : memref<4x128xi32, #tpu.memory_space<vmem>> -> memref<1x128xi32, #tpu.memory_space<vmem>>
    %dma_start3A_39 = tpu.memref_squeeze %dma_start3A_38 : memref<1x128xi32, #tpu.memory_space<vmem>> -> memref<128xi32, #tpu.memory_space<vmem>>
    %dma_start3A_40 = arith.constant 0 : i32
    %dma_start3A_41 = tpu.memref_slice %arg5[%dma_start3A_36, %dma_start3A_40] : memref<4x128xi32, #tpu.memory_space<vmem>> -> memref<1x128xi32, #tpu.memory_space<vmem>>
    %dma_start3A_42 = tpu.memref_squeeze %dma_start3A_41 : memref<1x128xi32, #tpu.memory_space<vmem>> -> memref<128xi32, #tpu.memory_space<vmem>>
    %dma_start3A_43 = arith.constant 0 : i32
    %dma_start3A_44 = tpu.memref_slice %arg4[%dma_start3A_43] : memref<1000000xi32, #tpu.memory_space<hbm>> -> memref<1000000xi32, #tpu.memory_space<hbm>>
    tpu.enqueue_indirect_dma source(%dma_start3A_39 : memref<128xi32, #tpu.memory_space<vmem>>) target(%dma_start3A_44 : memref<1000000xi32, #tpu.memory_space<hbm>>) offsets(%dma_start3A_42 : memref<128xi32, #tpu.memory_space<vmem>>) semaphore(%arg7 : memref<!tpu.dma_semaphore, #tpu.memory_space<semaphore_mem>>)
    %dma_start3A_45 = arith.constant 2 : i32
    %dma_start3A_46 = arith.constant 2 : i32
    %dma_start3A_47 = arith.constant 0 : i32
    %dma_start3A_48 = tpu.memref_slice %arg6[%dma_start3A_45, %dma_start3A_47] : memref<4x128xi32, #tpu.memory_space<vmem>> -> memref<1x128xi32, #tpu.memory_space<vmem>>
    %dma_start3A_49 = tpu.memref_squeeze %dma_start3A_48 : memref<1x128xi32, #tpu.memory_space<vmem>> -> memref<128xi32, #tpu.memory_space<vmem>>
    %dma_start3A_50 = arith.constant 0 : i32
    %dma_start3A_51 = tpu.memref_slice %arg5[%dma_start3A_46, %dma_start3A_50] : memref<4x128xi32, #tpu.memory_space<vmem>> -> memref<1x128xi32, #tpu.memory_space<vmem>>
    %dma_start3A_52 = tpu.memref_squeeze %dma_start3A_51 : memref<1x128xi32, #tpu.memory_space<vmem>> -> memref<128xi32, #tpu.memory_space<vmem>>
    %dma_start3A_53 = arith.constant 0 : i32
    %dma_start3A_54 = tpu.memref_slice %arg4[%dma_start3A_53] : memref<1000000xi32, #tpu.memory_space<hbm>> -> memref<1000000xi32, #tpu.memory_space<hbm>>
    tpu.enqueue_indirect_dma source(%dma_start3A_49 : memref<128xi32, #tpu.memory_space<vmem>>) target(%dma_start3A_54 : memref<1000000xi32, #tpu.memory_space<hbm>>) offsets(%dma_start3A_52 : memref<128xi32, #tpu.memory_space<vmem>>) semaphore(%arg7 : memref<!tpu.dma_semaphore, #tpu.memory_space<semaphore_mem>>)
    %dma_start3A_55 = arith.constant 3 : i32
    %dma_start3A_56 = arith.constant 3 : i32
    %dma_start3A_57 = arith.constant 0 : i32
    %dma_start3A_58 = tpu.memref_slice %arg6[%dma_start3A_55, %dma_start3A_57] : memref<4x128xi32, #tpu.memory_space<vmem>> -> memref<1x128xi32, #tpu.memory_space<vmem>>
    %dma_start3A_59 = tpu.memref_squeeze %dma_start3A_58 : memref<1x128xi32, #tpu.memory_space<vmem>> -> memref<128xi32, #tpu.memory_space<vmem>>
    %dma_start3A_60 = arith.constant 0 : i32
    %dma_start3A_61 = tpu.memref_slice %arg5[%dma_start3A_56, %dma_start3A_60] : memref<4x128xi32, #tpu.memory_space<vmem>> -> memref<1x128xi32, #tpu.memory_space<vmem>>
    %dma_start3A_62 = tpu.memref_squeeze %dma_start3A_61 : memref<1x128xi32, #tpu.memory_space<vmem>> -> memref<128xi32, #tpu.memory_space<vmem>>
    %dma_start3A_63 = arith.constant 0 : i32
    %dma_start3A_64 = tpu.memref_slice %arg4[%dma_start3A_63] : memref<1000000xi32, #tpu.memory_space<hbm>> -> memref<1000000xi32, #tpu.memory_space<hbm>>
    tpu.enqueue_indirect_dma source(%dma_start3A_59 : memref<128xi32, #tpu.memory_space<vmem>>) target(%dma_start3A_64 : memref<1000000xi32, #tpu.memory_space<hbm>>) offsets(%dma_start3A_62 : memref<128xi32, #tpu.memory_space<vmem>>) semaphore(%arg7 : memref<!tpu.dma_semaphore, #tpu.memory_space<semaphore_mem>>)
    %dma_wait3A = arith.constant 0 : i32
    %dma_wait3A_65 = arith.constant 0 : i32
    %dma_wait3A_66 = arith.constant 0 : i32
    %dma_wait3A_67 = tpu.memref_slice %arg6[%dma_wait3A, %dma_wait3A_66] : memref<4x128xi32, #tpu.memory_space<vmem>> -> memref<1x128xi32, #tpu.memory_space<vmem>>
    %dma_wait3A_68 = tpu.memref_squeeze %dma_wait3A_67 : memref<1x128xi32, #tpu.memory_space<vmem>> -> memref<128xi32, #tpu.memory_space<vmem>>
    %dma_wait3A_69 = arith.constant 0 : i32
    %dma_wait3A_70 = tpu.memref_slice %arg5[%dma_wait3A_65, %dma_wait3A_69] : memref<4x128xi32, #tpu.memory_space<vmem>> -> memref<1x128xi32, #tpu.memory_space<vmem>>
    %dma_wait3A_71 = tpu.memref_squeeze %dma_wait3A_70 : memref<1x128xi32, #tpu.memory_space<vmem>> -> memref<128xi32, #tpu.memory_space<vmem>>
    %dma_wait3A_72 = arith.constant 0 : i32
    %dma_wait3A_73 = tpu.memref_slice %arg4[%dma_wait3A_72] : memref<1000000xi32, #tpu.memory_space<hbm>> -> memref<1000000xi32, #tpu.memory_space<hbm>>
    tpu.wait_indirect_dma semaphore(%arg7 : memref<!tpu.dma_semaphore, #tpu.memory_space<semaphore_mem>>) src(%dma_wait3A_68 : memref<128xi32, #tpu.memory_space<vmem>>) dst(%dma_wait3A_73 : memref<1000000xi32, #tpu.memory_space<hbm>>)
    %dma_wait3A_74 = arith.constant 1 : i32
    %dma_wait3A_75 = arith.constant 1 : i32
    %dma_wait3A_76 = arith.constant 0 : i32
    %dma_wait3A_77 = tpu.memref_slice %arg6[%dma_wait3A_74, %dma_wait3A_76] : memref<4x128xi32, #tpu.memory_space<vmem>> -> memref<1x128xi32, #tpu.memory_space<vmem>>
    %dma_wait3A_78 = tpu.memref_squeeze %dma_wait3A_77 : memref<1x128xi32, #tpu.memory_space<vmem>> -> memref<128xi32, #tpu.memory_space<vmem>>
    %dma_wait3A_79 = arith.constant 0 : i32
    %dma_wait3A_80 = tpu.memref_slice %arg5[%dma_wait3A_75, %dma_wait3A_79] : memref<4x128xi32, #tpu.memory_space<vmem>> -> memref<1x128xi32, #tpu.memory_space<vmem>>
    %dma_wait3A_81 = tpu.memref_squeeze %dma_wait3A_80 : memref<1x128xi32, #tpu.memory_space<vmem>> -> memref<128xi32, #tpu.memory_space<vmem>>
    %dma_wait3A_82 = arith.constant 0 : i32
    %dma_wait3A_83 = tpu.memref_slice %arg4[%dma_wait3A_82] : memref<1000000xi32, #tpu.memory_space<hbm>> -> memref<1000000xi32, #tpu.memory_space<hbm>>
    tpu.wait_indirect_dma semaphore(%arg7 : memref<!tpu.dma_semaphore, #tpu.memory_space<semaphore_mem>>) src(%dma_wait3A_78 : memref<128xi32, #tpu.memory_space<vmem>>) dst(%dma_wait3A_83 : memref<1000000xi32, #tpu.memory_space<hbm>>)
    %dma_wait3A_84 = arith.constant 2 : i32
    %dma_wait3A_85 = arith.constant 2 : i32
    %dma_wait3A_86 = arith.constant 0 : i32
    %dma_wait3A_87 = tpu.memref_slice %arg6[%dma_wait3A_84, %dma_wait3A_86] : memref<4x128xi32, #tpu.memory_space<vmem>> -> memref<1x128xi32, #tpu.memory_space<vmem>>
    %dma_wait3A_88 = tpu.memref_squeeze %dma_wait3A_87 : memref<1x128xi32, #tpu.memory_space<vmem>> -> memref<128xi32, #tpu.memory_space<vmem>>
    %dma_wait3A_89 = arith.constant 0 : i32
    %dma_wait3A_90 = tpu.memref_slice %arg5[%dma_wait3A_85, %dma_wait3A_89] : memref<4x128xi32, #tpu.memory_space<vmem>> -> memref<1x128xi32, #tpu.memory_space<vmem>>
    %dma_wait3A_91 = tpu.memref_squeeze %dma_wait3A_90 : memref<1x128xi32, #tpu.memory_space<vmem>> -> memref<128xi32, #tpu.memory_space<vmem>>
    %dma_wait3A_92 = arith.constant 0 : i32
    %dma_wait3A_93 = tpu.memref_slice %arg4[%dma_wait3A_92] : memref<1000000xi32, #tpu.memory_space<hbm>> -> memref<1000000xi32, #tpu.memory_space<hbm>>
    tpu.wait_indirect_dma semaphore(%arg7 : memref<!tpu.dma_semaphore, #tpu.memory_space<semaphore_mem>>) src(%dma_wait3A_88 : memref<128xi32, #tpu.memory_space<vmem>>) dst(%dma_wait3A_93 : memref<1000000xi32, #tpu.memory_space<hbm>>)
    %dma_wait3A_94 = arith.constant 3 : i32
    %dma_wait3A_95 = arith.constant 3 : i32
    %dma_wait3A_96 = arith.constant 0 : i32
    %dma_wait3A_97 = tpu.memref_slice %arg6[%dma_wait3A_94, %dma_wait3A_96] : memref<4x128xi32, #tpu.memory_space<vmem>> -> memref<1x128xi32, #tpu.memory_space<vmem>>
    %dma_wait3A_98 = tpu.memref_squeeze %dma_wait3A_97 : memref<1x128xi32, #tpu.memory_space<vmem>> -> memref<128xi32, #tpu.memory_space<vmem>>
    %dma_wait3A_99 = arith.constant 0 : i32
    %dma_wait3A_100 = tpu.memref_slice %arg5[%dma_wait3A_95, %dma_wait3A_99] : memref<4x128xi32, #tpu.memory_space<vmem>> -> memref<1x128xi32, #tpu.memory_space<vmem>>
    %dma_wait3A_101 = tpu.memref_squeeze %dma_wait3A_100 : memref<1x128xi32, #tpu.memory_space<vmem>> -> memref<128xi32, #tpu.memory_space<vmem>>
    %dma_wait3A_102 = arith.constant 0 : i32
    %dma_wait3A_103 = tpu.memref_slice %arg4[%dma_wait3A_102] : memref<1000000xi32, #tpu.memory_space<hbm>> -> memref<1000000xi32, #tpu.memory_space<hbm>>
    tpu.wait_indirect_dma semaphore(%arg7 : memref<!tpu.dma_semaphore, #tpu.memory_space<semaphore_mem>>) src(%dma_wait3A_98 : memref<128xi32, #tpu.memory_space<vmem>>) dst(%dma_wait3A_103 : memref<1000000xi32, #tpu.memory_space<hbm>>)
    return
  }
}

module attributes {stable_mosaic.version = 14 : i64} {
  func.func @_tp_body(%arg0: i32, %arg1: memref<100x16384xf32, #tpu.memory_space<vmem>>, %arg2: memref<16384x128xf32, #tpu.memory_space<vmem>>) attributes {dimension_semantics = [#tpu.dimension_semantics<arbitrary>], iteration_bounds = array<i64: 62>, scalar_prefetch = 0 : i64, scratch_operands = 0 : i64, tpu.core_type = #tpu.core_type<tc>, window_params = [{transform_indices = @transform_0, window_bounds = array<i64: 100, 16384>}, {transform_indices = @transform_1, window_bounds = array<i64: 16384, 128>}]} {
    %get3A = arith.constant 0 : index
    %get3A_0 = arith.constant 0 : index
    %get3A_1 = vector.load %arg1[%get3A, %get3A_0] : memref<100x16384xf32, #tpu.memory_space<vmem>>, vector<100x16384xf32>
    %transpose3A = tpu.transpose %get3A_1, [1, 0] : vector<100x16384xf32> -> vector<16384x100xf32>
    %swap3A = arith.constant 0 : index
    %swap3A_2 = arith.constant 0 : index
    %swap3A_3 = vector.load %arg2[%swap3A, %swap3A_2] : memref<16384x128xf32, #tpu.memory_space<vmem>>, vector<16384x100xf32>
    tpu.vector_store %arg2[%swap3A, %swap3A_2], %transpose3A {strides = array<i32>} : memref<16384x128xf32, #tpu.memory_space<vmem>>, vector<16384x100xf32>,
    return
  }
  func.func @transform_0(%arg0: i32) -> (i32, i32) {
    %c0_i32 = arith.constant 0 : i32
    %c0_i32_0 = arith.constant 0 : i32
    return %c0_i32, %arg0 : i32, i32
  }
  func.func @transform_1(%arg0: i32) -> (i32, i32) {
    %c0_i32 = arith.constant 0 : i32
    %c0_i32_0 = arith.constant 0 : i32
    return %arg0, %c0_i32 : i32, i32
  }
}

module attributes {stable_mosaic.version = 14 : i64} {
  func.func @_tc_loss_body(%arg0: i32, %arg1: memref<4096x128xf32, #tpu.memory_space<vmem>>, %arg2: memref<4096x128xf32, #tpu.memory_space<vmem>>, %arg3: memref<4096x128xf32, #tpu.memory_space<vmem>>, %arg4: memref<1x1x4096xi32, #tpu.memory_space<vmem>>, %arg5: memref<1x1xf32, #tpu.memory_space<vmem>>, %arg6: memref<1x1xf32, #tpu.memory_space<vmem>>) attributes {dimension_semantics = [#tpu.dimension_semantics<arbitrary>], iteration_bounds = array<i64: 4>, scalar_prefetch = 0 : i64, scratch_operands = 0 : i64, tpu.core_type = #tpu.core_type<tc>, window_params = [{transform_indices = @transform_0, window_bounds = array<i64: 4096, 128>}, {transform_indices = @transform_1, window_bounds = array<i64: 4096, 128>}, {transform_indices = @transform_2, window_bounds = array<i64: 4096, 128>}, {transform_indices = @transform_3, window_bounds = array<i64: 1, 1, 4096>}, {pipeline_mode = #tpu.pipeline_mode<synchronous>, transform_indices = @transform_4, window_bounds = array<i64: 1, 1>}, {pipeline_mode = #tpu.pipeline_mode<synchronous>, transform_indices = @transform_5, window_bounds = array<i64: 1, 1>}]} {
    %iota3A = tpu.iota {dimensions = array<i32: 1>} : vector<4096x128xi32>
    %lt3A = arith.constant 100 : i32
    %lt3A_0 = vector.broadcast %lt3A : i32 to vector<4096x128xi32>
    %lt3A_1 = arith.cmpi slt, %iota3A, %lt3A_0 : vector<4096x128xi32>
    %get3A = arith.constant 0 : index
    %get3A_2 = arith.constant 0 : index
    %get3A_3 = vector.load %arg1[%get3A, %get3A_2] : memref<4096x128xf32, #tpu.memory_space<vmem>>, vector<4096x128xf32>
    %jit3A = arith.constant -1.000000e+30 : f32
    %broadcast_in_dim3A = vector.broadcast %jit3A : f32 to vector<4096x128xf32>
    %select_n3A = arith.select %lt3A_1, %get3A_3, %broadcast_in_dim3A : vector<4096x128xi1>, vector<4096x128xf32>
    %reduce_max3A = arith.constant dense<0xFF800000> : vector<4096xf32>
    %reduce_max3A_4 = vector.multi_reduction <maximumf>, %select_n3A, %reduce_max3A [1] : vector<4096x128xf32> to vector<4096xf32>
    %broadcast_in_dim3A_5 = vector.shape_cast %reduce_max3A_4 : vector<4096xf32> to vector<4096x1xf32>
    %sub3A = vector.broadcast %broadcast_in_dim3A_5 : vector<4096x1xf32> to vector<4096x128xf32>
    %sub3A_6 = arith.subf %select_n3A, %sub3A : vector<4096x128xf32>
    %exp3A = math.exp %sub3A_6 : vector<4096x128xf32>
    %jit3A_7 = arith.constant 0.000000e+00 : f32
    %broadcast_in_dim3A_8 = vector.broadcast %jit3A_7 : f32 to vector<4096x128xf32>
    %select_n3A_9 = arith.select %lt3A_1, %exp3A, %broadcast_in_dim3A_8 : vector<4096x128xi1>, vector<4096x128xf32>
    %reduce_sum3A = arith.constant dense<0.000000e+00> : vector<4096xf32>
    %reduce_sum3A_10 = vector.multi_reduction <add>, %select_n3A_9, %reduce_sum3A [1] : vector<4096x128xf32> to vector<4096xf32>
    %broadcast_in_dim3A_11 = vector.shape_cast %reduce_sum3A_10 : vector<4096xf32> to vector<4096x1xf32>
    %log3A = math.log %broadcast_in_dim3A_11 : vector<4096x1xf32>
    %add3A = arith.addf %broadcast_in_dim3A_5, %log3A : vector<4096x1xf32>
    %get3A_12 = arith.constant 0 : index
    %get3A_13 = arith.constant 0 : index
    %get3A_14 = vector.load %arg3[%get3A_12, %get3A_13] : memref<4096x128xf32, #tpu.memory_space<vmem>>, vector<4096x128xf32>
    %jit3A_15 = arith.constant -1.000000e+30 : f32
    %broadcast_in_dim3A_16 = vector.broadcast %jit3A_15 : f32 to vector<4096x128xf32>
    %select_n3A_17 = arith.select %lt3A_1, %get3A_14, %broadcast_in_dim3A_16 : vector<4096x128xi1>, vector<4096x128xf32>
    %reduce_max3A_18 = arith.constant dense<0xFF800000> : vector<4096xf32>
    %reduce_max3A_19 = vector.multi_reduction <maximumf>, %select_n3A_17, %reduce_max3A_18 [1] : vector<4096x128xf32> to vector<4096xf32>
    %broadcast_in_dim3A_20 = vector.shape_cast %reduce_max3A_19 : vector<4096xf32> to vector<4096x1xf32>
    %sub3A_21 = vector.broadcast %broadcast_in_dim3A_20 : vector<4096x1xf32> to vector<4096x128xf32>
    %sub3A_22 = arith.subf %select_n3A_17, %sub3A_21 : vector<4096x128xf32>
    %exp3A_23 = math.exp %sub3A_22 : vector<4096x128xf32>
    %jit3A_24 = arith.constant 0.000000e+00 : f32
    %broadcast_in_dim3A_25 = vector.broadcast %jit3A_24 : f32 to vector<4096x128xf32>
    %select_n3A_26 = arith.select %lt3A_1, %exp3A_23, %broadcast_in_dim3A_25 : vector<4096x128xi1>, vector<4096x128xf32>
    %reduce_sum3A_27 = arith.constant dense<0.000000e+00> : vector<4096xf32>
    %reduce_sum3A_28 = vector.multi_reduction <add>, %select_n3A_26, %reduce_sum3A_27 [1] : vector<4096x128xf32> to vector<4096xf32>
    %broadcast_in_dim3A_29 = vector.shape_cast %reduce_sum3A_28 : vector<4096xf32> to vector<4096x1xf32>
    %div3A = vector.broadcast %broadcast_in_dim3A_29 : vector<4096x1xf32> to vector<4096x128xf32>
    %div3A_30 = arith.divf %select_n3A_26, %div3A : vector<4096x128xf32>
    %get3A_31 = arith.constant 0 : index
    %get3A_32 = arith.constant 0 : index
    %get3A_33 = vector.load %arg2[%get3A_31, %get3A_32] : memref<4096x128xf32, #tpu.memory_space<vmem>>, vector<4096x128xf32>
    %mul3A = arith.constant 0.899999976 : f32
    %mul3A_34 = vector.broadcast %mul3A : f32 to vector<4096x128xf32>
    %mul3A_35 = arith.mulf %mul3A_34, %get3A_33 : vector<4096x128xf32>
    %mul3A_36 = arith.constant 1.000000e-01 : f32
    %mul3A_37 = vector.broadcast %mul3A_36 : f32 to vector<4096x128xf32>
    %mul3A_38 = arith.mulf %mul3A_37, %div3A_30 : vector<4096x128xf32>
    %add3A_39 = arith.addf %mul3A_35, %mul3A_38 : vector<4096x128xf32>
    %sub3A_40 = vector.broadcast %add3A : vector<4096x1xf32> to vector<4096x128xf32>
    %sub3A_41 = arith.subf %select_n3A, %sub3A_40 : vector<4096x128xf32>
    %mul3A_42 = arith.mulf %sub3A_41, %add3A_39 : vector<4096x128xf32>
    %jit3A_43 = arith.constant 0.000000e+00 : f32
    %broadcast_in_dim3A_44 = vector.broadcast %jit3A_43 : f32 to vector<4096x128xf32>
    %select_n3A_45 = arith.select %lt3A_1, %mul3A_42, %broadcast_in_dim3A_44 : vector<4096x128xi1>, vector<4096x128xf32>
    %reduce_sum3A_46 = vector.shape_cast %select_n3A_45 : vector<4096x128xf32> to vector<1x4096x128xf32>
    %reduce_sum3A_47 = arith.constant dense<0.000000e+00> : vector<1xf32>
    %reduce_sum3A_48 = vector.multi_reduction <add>, %reduce_sum3A_46, %reduce_sum3A_47 [1, 2] : vector<1x4096x128xf32> to vector<1xf32>
    %reduce_sum3A_49 = vector.shape_cast %reduce_sum3A_48 : vector<1xf32> to vector<1x1x1xf32>
    %reduce_sum3A_50 = vector.extract %reduce_sum3A_49[0, 0, 0] : f32 from vector<1x1x1xf32>
    %neg3A = arith.constant 0.000000e+00 : f32
    %neg3A_51 = arith.subf %neg3A, %reduce_sum3A_50 : f32
    %get3A_52 = arith.constant 0 : index
    %get3A_53 = arith.constant 0 : index
    %get3A_54 = arith.constant 0 : index
    %get3A_55 = vector.load %arg4[%get3A_52, %get3A_53, %get3A_54] : memref<1x1x4096xi32, #tpu.memory_space<vmem>>, vector<1x1x4096xi32>
    %get3A_56 = vector.shape_cast %get3A_55 : vector<1x1x4096xi32> to vector<4096xi32>
    %broadcast_in_dim3A_57 = vector.shape_cast %get3A_56 : vector<4096xi32> to vector<4096x1xi32>
    %eq3A = vector.broadcast %broadcast_in_dim3A_57 : vector<4096x1xi32> to vector<4096x128xi32>
    %eq3A_58 = arith.cmpi eq, %iota3A, %eq3A : vector<4096x128xi32>
    %sub3A_59 = vector.broadcast %add3A : vector<4096x1xf32> to vector<4096x128xf32>
    %sub3A_60 = arith.subf %select_n3A, %sub3A_59 : vector<4096x128xf32>
    %jit3A_61 = arith.constant 0.000000e+00 : f32
    %broadcast_in_dim3A_62 = vector.broadcast %jit3A_61 : f32 to vector<4096x128xf32>
    %select_n3A_63 = arith.select %eq3A_58, %sub3A_60, %broadcast_in_dim3A_62 : vector<4096x128xi1>, vector<4096x128xf32>
    %reduce_sum3A_64 = vector.shape_cast %select_n3A_63 : vector<4096x128xf32> to vector<1x4096x128xf32>
    %reduce_sum3A_65 = arith.constant dense<0.000000e+00> : vector<1xf32>
    %reduce_sum3A_66 = vector.multi_reduction <add>, %reduce_sum3A_64, %reduce_sum3A_65 [1, 2] : vector<1x4096x128xf32> to vector<1xf32>
    %reduce_sum3A_67 = vector.shape_cast %reduce_sum3A_66 : vector<1xf32> to vector<1x1x1xf32>
    %reduce_sum3A_68 = vector.extract %reduce_sum3A_67[0, 0, 0] : f32 from vector<1x1x1xf32>
    %eq3A_69 = arith.constant 0 : i32
    %eq3A_70 = arith.cmpi eq, %arg0, %eq3A_69 : i32
    %convert_element_type3A = arith.extui %eq3A_70 : i1 to i32
    %cond3A = arith.constant 0 : i32
    %cond3A_71 = arith.cmpi ne, %convert_element_type3A, %cond3A : i32
    scf.if %cond3A_71 {
      %broadcast_in_dim3A_89 = arith.constant 0.000000e+00 : f32
      %broadcast_in_dim3A_90 = vector.broadcast %broadcast_in_dim3A_89 : f32 to vector<1x1xf32>
      %swap3A_91 = arith.constant 0 : index
      %swap3A_92 = arith.constant 0 : index
      %swap3A_93 = vector.load %arg5[%swap3A_91, %swap3A_92] : memref<1x1xf32, #tpu.memory_space<vmem>>, vector<1x1xf32>
      tpu.vector_store %arg5[%swap3A_91, %swap3A_92], %broadcast_in_dim3A_90 {strides = array<i32>} : memref<1x1xf32, #tpu.memory_space<vmem>>, vector<1x1xf32>,
      %broadcast_in_dim3A_94 = arith.constant 0.000000e+00 : f32
      %broadcast_in_dim3A_95 = vector.broadcast %broadcast_in_dim3A_94 : f32 to vector<1x1xf32>
      %swap3A_96 = arith.constant 0 : index
      %swap3A_97 = arith.constant 0 : index
      %swap3A_98 = vector.load %arg6[%swap3A_96, %swap3A_97] : memref<1x1xf32, #tpu.memory_space<vmem>>, vector<1x1xf32>
      tpu.vector_store %arg6[%swap3A_96, %swap3A_97], %broadcast_in_dim3A_95 {strides = array<i32>} : memref<1x1xf32, #tpu.memory_space<vmem>>, vector<1x1xf32>,
    } else {
    }
    %get3A_72 = arith.constant 0 : index
    %get3A_73 = arith.constant 0 : index
    %get3A_74 = vector.load %arg5[%get3A_72, %get3A_73] : memref<1x1xf32, #tpu.memory_space<vmem>>, vector<1x1xf32>
    %neg3A_75 = arith.constant 0.000000e+00 : f32
    %neg3A_76 = arith.subf %neg3A_75, %reduce_sum3A_68 : f32
    %broadcast_in_dim3A_77 = vector.broadcast %neg3A_76 : f32 to vector<1x1xf32>
    %add3A_78 = arith.addf %get3A_74, %broadcast_in_dim3A_77 : vector<1x1xf32>
    %swap3A = arith.constant 0 : index
    %swap3A_79 = arith.constant 0 : index
    %swap3A_80 = vector.load %arg5[%swap3A, %swap3A_79] : memref<1x1xf32, #tpu.memory_space<vmem>>, vector<1x1xf32>
    tpu.vector_store %arg5[%swap3A, %swap3A_79], %add3A_78 {strides = array<i32>} : memref<1x1xf32, #tpu.memory_space<vmem>>, vector<1x1xf32>,
    %get3A_81 = arith.constant 0 : index
    %get3A_82 = arith.constant 0 : index
    %get3A_83 = vector.load %arg6[%get3A_81, %get3A_82] : memref<1x1xf32, #tpu.memory_space<vmem>>, vector<1x1xf32>
    %broadcast_in_dim3A_84 = vector.broadcast %neg3A_51 : f32 to vector<1x1xf32>
    %add3A_85 = arith.addf %get3A_83, %broadcast_in_dim3A_84 : vector<1x1xf32>
    %swap3A_86 = arith.constant 0 : index
    %swap3A_87 = arith.constant 0 : index
    %swap3A_88 = vector.load %arg6[%swap3A_86, %swap3A_87] : memref<1x1xf32, #tpu.memory_space<vmem>>, vector<1x1xf32>
    tpu.vector_store %arg6[%swap3A_86, %swap3A_87], %add3A_85 {strides = array<i32>} : memref<1x1xf32, #tpu.memory_space<vmem>>, vector<1x1xf32>,
    return
  }
  func.func @transform_0(%arg0: i32) -> (i32, i32) {
    %c0_i32 = arith.constant 0 : i32
    %c0_i32_0 = arith.constant 0 : i32
    return %arg0, %c0_i32 : i32, i32
  }
  func.func @transform_1(%arg0: i32) -> (i32, i32) {
    %c0_i32 = arith.constant 0 : i32
    %c0_i32_0 = arith.constant 0 : i32
    return %arg0, %c0_i32 : i32, i32
  }
  func.func @transform_2(%arg0: i32) -> (i32, i32) {
    %c0_i32 = arith.constant 0 : i32
    %c0_i32_0 = arith.constant 0 : i32
    return %arg0, %c0_i32 : i32, i32
  }
  func.func @transform_3(%arg0: i32) -> (i32, i32, i32) {
    %c0_i32 = arith.constant 0 : i32
    %c0_i32_0 = arith.constant 0 : i32
    %c0_i32_1 = arith.constant 0 : i32
    return %arg0, %c0_i32, %c0_i32_0 : i32, i32, i32
  }
  func.func @transform_4(%arg0: i32) -> (i32, i32) {
    %c0_i32 = arith.constant 0 : i32
    %c0_i32_0 = arith.constant 0 : i32
    %c0_i32_1 = arith.constant 0 : i32
    return %c0_i32, %c0_i32_0 : i32, i32
  }
  func.func @transform_5(%arg0: i32) -> (i32, i32) {
    %c0_i32 = arith.constant 0 : i32
    %c0_i32_0 = arith.constant 0 : i32
    %c0_i32_1 = arith.constant 0 : i32
    return %c0_i32, %c0_i32_0 : i32, i32
  }
}

</mosaic_0001>

<sc_bundles>
// kernel: kernel.6.cloned.1.call-start
scs
__scs_entry_jumppad:
0x0: {  	(pc) =	sbr.rel $0x88, $3  }
0x1: {  	(tag) =	ssettag $0x0;
	lr =	simm.s32 $0x1  }
0x2: {  	[smem:$0x3F9C] =	sst lr;
	_ =	strace $0xD0000000  }
0x3: {  	_ = 	snop  }
0x4: {  	_ = 	snop  }
0x5: {  	_ = 	snop  }
0x6: {  	_ = 	snop  }
0x7: {  	_ = 	snop  }
__scs_overlays_trampoline_lowered:
0x8: {  	[smem:$0x3FAB] =	sst s0  }
0x9: {  	[smem:$0x3FAC] =	sst s1  }
0xa: {  	[smem:$0x3FAD] =	sst s2  }
0xb: {  	[smem:$0x3FAE] =	sst s3  }
0xc: {  	[smem:$0x3FAF] =	sst s4  }
0xd: {  	[smem:$0x3FB0] =	sst s5  }
0xe: {  	[smem:$0x3FB1] =	sst s6  }
0xf: {  	[smem:$0x3FB2] =	sst s7  }
0x10: {  	[smem:$0x3FB3] =	sst s8  }
0x11: {  	[smem:$0x3FB4] =	sst s9;
	s0 =	simm.s32 @!p0 $0x0  }
0x12: {  	s1 =	sld [smem:$0x3F9A];
	s0 =	simm.s32 @p0 $0x1  }
0x13: {  	[smem:$0x3FB5] =	sst s0;
	s0 =	simm.s32 @!p1 $0x0  }
0x14: {  	s2 =	sld [smem:$0x3F99];
	s0 =	simm.s32 @p1 $0x1  }
0x15: {  	[smem:$0x3FB6] =	sst s0;
	s0 =	simm.s32 @!p2 $0x0  }
0x16: {  	s3 =	sld [smem:$0x3FDB];
	s0 =	simm.s32 @p2 $0x1  }
0x17: {  	s4 =	simm.s32 $0x1BF5;
	[smem:$0x3FB8] =	sst s0  }
0x18: {  	s0 =	sld [smem:$0x3F9B];
	_ =	swait.ge [sflag:s4], $0x0  }
0x19: {  	s7 =	sld [smem:$0x3F9C]  }
0x1a: {  	s8 =	sadd.s32 $0xFFFFE003, lr  }
0x1b: {  	s9 =	sadd.s32 $0xFFFFFEF7, lr;
	s5 =	simm.s32 $0xFFFFFFFF;
	p2 =	slt.u32 s8, $0xFFFFF086  }
0x1c: {  	p1 =	slt.u32 s9, $0xF7A;
	s5 =	simm.s32 @!p2 $0x0  }
0x1d: {  	s5 =	simm.s32 @p1 $0x1;
	p0 =	seq.s32 s7, s2  }
0x1e: {  	s7 =	smul.u32 @!p0 $0xF7A, s2;
	p2 =	seq.s32 @!p0 s5, $0x0  }
0x1f: {  	s9 =	smul.u32 $0xF7A, s1;
	s8 =	simm.s32 @!p0 $0x1BF5;
	p2 =	por !p2, p0  }
0x20: {  	[sflag:s8] =	ssyncset.s32 @!p0 $0xFFFFF086;
	s6 =	sadd.s32 @!p0 s3, s7;
	s7 =	simm.s32 @!p0 $0x108  }
0x21: {  	s3 =	sadd.s32 s3, s9;
	s6 =	sadd.s32 @!p0 $0x88, s6;
	s7 =	simm.s32 @p2 $0x1082  }
0x22: {  	[simem:s7], [sflag:s8] =	dma.local @!p0 [hbm:s6], $0xF7A  }
0x23: {  	s9 =	sor.u32 $0xD0000000, s2;
	s6 =	simm.s32 $0x108;
	_ =	swait.ge @!p0 [sflag:s8], $0x0  }
0x24: {  	s3 =	sadd.s32 $0x88, s3;
	s6 =	simm.s32 @!p1 $0x1082;
	[sflag:s4] =	ssyncset.s32 $0xFFFFF086  }
0x25: {  	[simem:s6], [sflag:s4] =	dma.local [hbm:s3], $0xF7A  }
0x26: {  	[smem:$0x3F9C] =	sst s1;
	(tag) =	ssettag s2;
	_ =	strace s9  }
0x27: {  	s1 =	sld [smem:$0x3FAC]  }
0x28: {  	s2 =	sld [smem:$0x3FAD]  }
0x29: {  	s4 =	sld [smem:$0x3FAF]  }
0x2a: {  	p0 =	seq.s32 s5, $0x0;
	s5 =	sld [smem:$0x3FB0]  }
0x2b: {  	s6 =	sld [smem:$0x3FB1]  }
0x2c: {  	s7 =	sld [smem:$0x3FB2]  }
0x2d: {  	s3 =	simm.s32 $0x108;
	s8 =	sld [smem:$0x3FB3]  }
0x2e: {  	s3 =	simm.s32 @!p0 $0x1082;
	s9 =	sld [smem:$0x3FB4]  }
0x2f: {  	lr =	sadd.s32 s0, s3;
	s0 =	sld [smem:$0x3FAB]  }
0x30: {  	s3 =	sld [smem:$0x3FAE]  }
0x31: {  	[smem:$0x3FB7] =	sst s10  }
0x32: {  	s10 =	sld [smem:$0x3FB5];
	_ =	sdelay $0x3  }
0x33: {  	p0 =	seq.s32 s10, $0x1;
	s10 =	sld [smem:$0x3FB7];
	_ =	sdelay $0x3  }
0x34: {  	[smem:$0x3FB7] =	sst s10  }
0x35: {  	s10 =	sld [smem:$0x3FB6];
	_ =	sdelay $0x3  }
0x36: {  	p1 =	seq.s32 s10, $0x1;
	s10 =	sld [smem:$0x3FB7];
	_ =	sdelay $0x3  }
0x37: {  	[smem:$0x3FB7] =	sst s10  }
0x38: {  	s10 =	sld [smem:$0x3FB8]  }
0x39: {  	_ = 	snop;
	(pc) =	sbr.ind lr, $3  }
0x3a: {  	_ = 	snop  }
0x3b: {  	_ = 	snop  }
0x3c: {  	p2 =	seq.s32 s10, $0x1;
	s10 =	sld [smem:$0x3FB7]  }
0x3d: {  	_ =	shalt  }
0x3e: {  	_ =	shalt  }
0x3f: {  	_ =	shalt  }
0x40: {  	_ =	shalt  }
0x41: {  	_ =	shalt  }
0x42: {  	_ =	shalt  }
0x43: {  	_ =	shalt  }
0x44: {  	_ =	shalt  }
0x45: {  	_ =	shalt  }
0x46: {  	_ =	shalt  }
0x47: {  	_ =	shalt  }
0x48: {  	_ =	shalt  }
0x49: {  	_ =	shalt  }
0x4a: {  	_ =	shalt  }
0x4b: {  	_ =	shalt  }
0x4c: {  	_ =	shalt  }
0x4d: {  	_ =	shalt  }
0x4e: {  	_ =	shalt  }
0x4f: {  	_ =	shalt  }
0x50: {  	_ =	shalt  }
0x51: {  	_ =	shalt  }
0x52: {  	_ =	shalt  }
0x53: {  	_ =	shalt  }
0x54: {  	_ =	shalt  }
0x55: {  	_ =	shalt  }
0x56: {  	_ =	shalt  }
0x57: {  	_ =	shalt  }
0x58: {  	_ =	shalt  }
0x59: {  	_ =	shalt  }
0x5a: {  	_ =	shalt  }
0x5b: {  	_ =	shalt  }
0x5c: {  	_ =	shalt  }
0x5d: {  	_ =	shalt  }
0x5e: {  	_ =	shalt  }
0x5f: {  	_ =	shalt  }
0x60: {  	_ =	shalt  }
0x61: {  	_ =	shalt  }
0x62: {  	_ =	shalt  }
0x63: {  	_ =	shalt  }
0x64: {  	_ =	shalt  }
0x65: {  	_ =	shalt  }
0x66: {  	_ =	shalt  }
0x67: {  	_ =	shalt  }
0x68: {  	_ =	shalt  }
0x69: {  	_ =	shalt  }
0x6a: {  	_ =	shalt  }
0x6b: {  	_ =	shalt  }
0x6c: {  	_ =	shalt  }
0x6d: {  	_ =	shalt  }
0x6e: {  	_ =	shalt  }
0x6f: {  	_ =	shalt  }
0x70: {  	_ =	shalt  }
0x71: {  	_ =	shalt  }
0x72: {  	_ =	shalt  }
0x73: {  	_ =	shalt  }
0x74: {  	_ =	shalt  }
0x75: {  	_ =	shalt  }
0x76: {  	_ =	shalt  }
0x77: {  	_ =	shalt  }
0x78: {  	_ =	shalt  }
0x79: {  	_ =	shalt  }
0x7a: {  	_ =	shalt  }
0x7b: {  	_ =	shalt  }
0x7c: {  	_ =	shalt  }
0x7d: {  	_ =	shalt  }
0x7e: {  	_ =	shalt  }
0x7f: {  	_ =	shalt  }
0x80: {  	_ =	shalt  }
0x81: {  	_ =	shalt  }
0x82: {  	_ =	shalt  }
0x83: {  	_ =	shalt  }
0x84: {  	_ =	shalt  }
0x85: {  	_ =	shalt  }
0x86: {  	_ =	shalt  }
0x87: {  	_ =	shalt  }
.Lfunc_end0:
.L_simem_size_0:
called_computation_lowered:
.L_overlay_start_0:
0x88: {  	s2 =	sld [smem:$0x3FD9]  }
0x89: {  	s3 =	sld [smem:$0x3FFE];
	_ =	sdelay $0x1  }
0x8a: {  	s1 =	srdreg.scid  }
0x8b: {  	s0 =	sand.u32 $0x1, s1  }
0x8c: {  	s17 =	sshll.u32 s0, $0xA;
	s2 =	sadd.s32 s3, s2  }
0x8d: {  	s2 =	sadd.s32 s2, s17  }
0x8e: {  	[smem:$0x3FC3] =	sst s2  }
0x8f: {  	_ = 	snop  }
0x90: {  	s2 =	sld [smem:$0x3FC6];
	(tm) =	ssettm $0x1  }
0x91: {  	s18 =	sld [smem:$0x3FFB];
	_ =	sdelay $0x3  }
0x92: {  	_ =	strace s18  }
0x93: {  	s3 =	sld [smem:$0x3FFC];
	_ =	sdelay $0x3  }
0x94: {  	_ =	strace s3  }
0x95: {  	s3 =	sld [smem:$0x3FFD];
	_ =	sdelay $0x3  }
0x96: {  	_ =	strace s3  }
0x97: {  	_ =	strace $0x8FFFFFFF  }
0x98: {  	s19 =	sld [smem:$0x3FDB];
	_ =	sdelay $0x1  }
0x99: {  	s4 =	simm.s32 $_scs_section_size  }
0x9a: {  	s5 =	simm.s32 $_size__tile_overlayer_lowered;
	s6 =	simm.s32 $_tile_overlayer_lowered  }
0x9b: {  	s22 =	simm.s32 $0x1BFF;
	s21 =	sshll.u32 s6, $0x1;
	s3 =	sadd.s32 s4, s19  }
0x9c: {  	s7 =	simm.s32 $0x0;
	s20 =	sshll.u32 s5, $0x1;
	s5 =	sadd.s32 s21, s3  }
0x9d: {  	[timem:s7], [sflag:s22] =	dma.local [hbm:s5], s20  }
0x9e: {  	_ =	swait.ge [sflag:s22], s20  }
0x9f: {  	s4 =	ssub.s32 $0x0, s20;
	[sflag:s22] =	ssyncset.done $0x0  }
0xa0: {  	[sflag:s22] =	ssyncadd.s32 s4;
	_ =	sdelay $0x1  }
0xa1: {  	s23 =	simm.s32 $0x1B8B  }
0xa2: {  	_ =	swait.ge [sflag:s23], $0x1  }
0xa3: {  	[sflag:s23] =	ssyncset.done $0x0  }
0xa4: {  	s25 =	simm.s32 $0x1B8E;
	s24 =	sld [smem:$0x3FFE];
	[sflag:s23] =	ssyncadd.s32 $0xFFFFFFFF  }
0xa5: {  	s26 =	simm.s32 $execute0_lowered;
	[smem:$0x3FD2] =	sst s25  }
0xa6: {  	s5 =	sshll.u32 s26, $0x1;
	_ =	strace $0x80000046;
	[dreg:$0x1] =	wrdreg $0xFFFFFFFF  }
0xa7: {  	s28 =	simm.s32 $_size_execute0_lowered;
	s3 =	sadd.s32 s3, s5;
	[dreg:$0x0] =	wrdreg $0x0  }
0xa8: {  	s5 =	sshll.u32 s28, $0x1;
	[dreg:$0x2] =	wrdreg s3  }
0xa9: {  	[dreg:$0x3] =	wrdreg s5  }
0xaa: {  	[dreg:$0x4] =	wrdreg $0xC0  }
0xab: {  	_ =	task [dreg:s7], $0x5FFFF  }
0xac: {  	[dreg:$0x1] =	wrdreg $0xFFFFFFFF  }
0xad: {  	[dreg:$0x0] =	wrdreg $0x60  }
0xae: {  	[dreg:$0x2] =	wrdreg s2  }
0xaf: {  	[dreg:$0x3] =	wrdreg s24  }
0xb0: {  	[dreg:$0x4] =	wrdreg $0x9  }
0xb1: {  	_ =	task.clear_ibuf [dreg:s7], $0x5FFFF;
	_ =	strace $0x90000046  }
0xb2: {  	s29 =	simm.s32 $0x9;
	_ =	strace $0x80000048  }
0xb3: {  	_ =	swait.ge [sflag:s29], $0x1  }
0xb4: {  	[sflag:s29] =	ssyncadd.s32 $0xFFFFFFFF  }
0xb5: {  	_ =	strace $0x90000048  }
0xb6: {  	_ =	sfence  }
0xb7: {  	s30 =	sld [smem:$0x0];
	_ =	sdelay $0x2  }
0xb8: {  	s31 =	sshll.u32 s1, $0xD;
	s1 =	sshrl.u32 s1, $0x2  }
0xb9: {  	s3 =	sand.u32 $0x4000, s31;
	s1 =	sadd.s32 s1, s30  }
0xba: {  	s0 =	sor.u32 s3, s0;
	s1 =	sshll.u32 s1, $0x11  }
0xbb: {  	s0 =	sor.u32 s1, s0  }
0xbc: {  	s0 =	sadd.s32 $0x8F2B, s0  }
0xbd: {  	[sflag:s0] =	ssyncadd.remote.s32 $0x1  }
0xbe: {  	_ =	sfence.sel $0xFFFF  }
0xbf: {  	[dreg:$0x0] =	wrdreg $0xFFFFFFFF;
	(pc) =	sbr.abs _section_cstart, $3  }
0xc0: {  	[dreg:$0x1] =	wrdreg $0xFFFFFFFF  }
0xc1: {  	_ =	task.clear_ibuf [dreg:s7], $0x2FFFF;
	_ =	strace $0x9FFFFFFF  }
0xc2: {  	(tm) =	ssettm $0x7FFFFFFF  }
0xc3: {  	_ =	shalt  }
tec
execute0_lowered:
.L_overlay_start_1:
0x0: {  	(tag) =	ssettag $0x1  }
0x1: {  	s15 =	rddreg [dreg:$0x0]  }
0x2: {  	s19 =	rddreg [dreg:$0x1];
	s2 =	srdreg.scid  }
0x3: {  	s0 =	rddreg [dreg:$0x2];
	s1 =	stileid.u32;
	s21 =	sand.u32 $0x1, s2  }
0x4: {  	s2 =	simm.s32 $0x0;
	s3 =	sshll.u32 s1, $0x7;
	s4 =	sshll.u32 s21, $0x6  }
0x5: {  	[smem:$0x7FF] =	sst s2;
	s16 =	sor.u32 s4, s3  }
0x6: {  	_ =	strace $0x80000047;
	s4 =	simm.s32 $0x2;
	s3 =	sadd.s32 s15, s16  }
0x7: {  	[tilespmem:s2], [sflag:$0x2] =	stream.linear.gather [hbm4b:s3+s2], $0x80, $0x38;
	[tilespmem:$0x400] =	vst v63  }
0x8: {  	_ =	swait.ge [sflag:s4], $0x80  }
0x9: {  	s17 =	sadd.s32 $0x1E00, s19;
	[sflag:s4] =	ssyncset.done $0x0  }
0xa: {  	s6 =	simm.s32 $0x200;
	s5 =	sadd.s32 s17, s16;
	[sflag:s4] =	ssyncadd.s32 $0xFFFFFF80  }
0xb: {  	[tilespmem:s6], [sflag:$0x2] =	stream.linear.gather [hbm4b:s5+s2], $0x80, $0x38;
	[tilespmem:$0x400] =	vst v63  }
0xc: {  	_ =	swait.ge [sflag:s4], $0x80  }
0xd: {  	s9 =	sor.u32 $0x10, s16;
	[sflag:s4] =	ssyncset.done $0x0  }
0xe: {  	s8 =	simm.s32 $0x80;
	s7 =	sadd.s32 s15, s9;
	[sflag:s4] =	ssyncadd.s32 $0xFFFFFF80  }
0xf: {  	[tilespmem:s8], [sflag:$0x2] =	stream.linear.gather [hbm4b:s7+s2], $0x80, $0x38;
	[tilespmem:$0x400] =	vst v63  }
0x10: {  	_ =	swait.ge [sflag:s4], $0x80  }
0x11: {  	[sflag:s4] =	ssyncset.done $0x0  }
0x12: {  	s10 =	simm.s32 $0x280;
	s9 =	sadd.s32 s17, s9;
	[sflag:s4] =	ssyncadd.s32 $0xFFFFFF80  }
0x13: {  	[tilespmem:s10], [sflag:$0x2] =	stream.linear.gather [hbm4b:s9+s2], $0x80, $0x38;
	[tilespmem:$0x400] =	vst v63  }
0x14: {  	_ =	swait.ge [sflag:s4], $0x80  }
0x15: {  	s13 =	sor.u32 $0x20, s16;
	[sflag:s4] =	ssyncset.done $0x0  }
0x16: {  	s12 =	simm.s32 $0x100;
	s11 =	sadd.s32 s15, s13;
	[sflag:s4] =	ssyncadd.s32 $0xFFFFFF80  }
0x17: {  	[tilespmem:s12], [sflag:$0x2] =	stream.linear.gather [hbm4b:s11+s2], $0x80, $0x38;
	[tilespmem:$0x400] =	vst v63  }
0x18: {  	_ =	swait.ge [sflag:s4], $0x80  }
0x19: {  	[sflag:s4] =	ssyncset.done $0x0  }
0x1a: {  	s14 =	simm.s32 $0x300;
	s13 =	sadd.s32 s17, s13;
	[sflag:s4] =	ssyncadd.s32 $0xFFFFFF80  }
0x1b: {  	[tilespmem:s14], [sflag:$0x2] =	stream.linear.gather [hbm4b:s13+s2], $0x80, $0x38;
	[tilespmem:$0x400] =	vst v63  }
0x1c: {  	_ =	swait.ge [sflag:s4], $0x80  }
0x1d: {  	s18 =	sor.u32 $0x30, s16;
	[sflag:s4] =	ssyncset.done $0x0  }
0x1e: {  	s16 =	simm.s32 $0x180;
	s15 =	sadd.s32 s15, s18;
	[sflag:s4] =	ssyncadd.s32 $0xFFFFFF80  }
0x1f: {  	[tilespmem:s16], [sflag:$0x2] =	stream.linear.gather [hbm4b:s15+s2], $0x80, $0x38;
	[tilespmem:$0x400] =	vst v63  }
0x20: {  	_ =	swait.ge [sflag:s4], $0x80  }
0x21: {  	[sflag:s4] =	ssyncset.done $0x0  }
0x22: {  	s17 =	sadd.s32 s17, s18;
	s18 =	simm.s32 $0x380;
	[sflag:s4] =	ssyncadd.s32 $0xFFFFFF80  }
0x23: {  	[tilespmem:s18], [sflag:$0x2] =	stream.linear.gather [hbm4b:s17+s2], $0x80, $0x38;
	[tilespmem:$0x400] =	vst v63  }
0x24: {  	_ =	swait.ge [sflag:s4], $0x80  }
0x25: {  	[sflag:s4] =	ssyncset.done $0x0  }
0x26: {  	s19 =	sadd.s32 $0x2600, s19;
	[sflag:s4] =	ssyncadd.s32 $0xFFFFFF80  }
0x27: {  	[hbm4b:s19+s8] =	stream.indirect.scatter [tilespmem:s6], [sflag:$0x1], $0x1, s2, s8, $0xb8;
	[tilespmem:$0x400] =	vst v63  }
0x28: {  	_ = 	snop  }
0x29: {  	[hbm4b:s19+s8] =	stream.indirect.scatter [tilespmem:s10], [sflag:$0x1], $0x1, s8, s8, $0xb8;
	[tilespmem:$0x400] =	vst v63  }
0x2a: {  	_ = 	snop  }
0x2b: {  	[hbm4b:s19+s8] =	stream.indirect.scatter [tilespmem:s14], [sflag:$0x1], $0x1, s12, s8, $0xb8;
	[tilespmem:$0x400] =	vst v63  }
0x2c: {  	s20 =	simm.s32 $0x1  }
0x2d: {  	[hbm4b:s19+s8] =	stream.indirect.scatter [tilespmem:s18], [sflag:$0x1], $0x1, s16, s8, $0xb8;
	[tilespmem:$0x400] =	vst v63  }
0x2e: {  	_ =	swait.ge [sflag:s20], $0x80  }
0x2f: {  	s21 =	ssub.s32 $0x2, s21;
	[sflag:s20] =	ssyncset.done $0x0  }
0x30: {  	s22 =	sshrl.u32 s21, $0x1;
	[sflag:s20] =	ssyncadd.s32 $0xFFFFFF80  }
0x31: {  	s21 =	ssub.s32 s21, s22;
	_ =	swait.ge [sflag:s20], $0x80  }
0x32: {  	s21 =	smax.u32 s21, $0x1;
	[sflag:s20] =	ssyncset.done $0x0  }
0x33: {  	p0 =	sne.s32 s21, $0x1;
	[sflag:s20] =	ssyncadd.s32 $0xFFFFFF80  }
.Ltmp0:
0x34: {  	_ =	swait.ge [sflag:s20], $0x80;
	(pc) =	sbr.rel @!p0 .LBB2_2-.Ltmp0, $4  }
0x35: {  	[sflag:s20] =	ssyncset.done $0x0  }
0x36: {  	[sflag:s20] =	ssyncadd.s32 $0xFFFFFF80  }
0x37: {  	_ =	swait.ge [sflag:s20], $0x80  }
0x38: {  	s21 =	sadd.s32 $0xFFFFFFFF, s21;
	[sflag:s20] =	ssyncset.done $0x0  }
.LBB2_1:
0x39: {  	p0 =	sne.s32 s21, $0x1;
	s21 =	sadd.s32 $0xFFFFFFFF, s21;
	[sflag:s20] =	ssyncadd.s32 $0xFFFFFF80  }
0x3a: {  	[tilespmem:s2], [sflag:$0x2] =	stream.linear.gather [hbm4b:s3+s2], $0x80, $0x38;
	[tilespmem:$0x400] =	vst v63  }
0x3b: {  	_ =	swait.ge [sflag:s4], $0x80  }
0x3c: {  	[sflag:s4] =	ssyncset.done $0x0  }
0x3d: {  	[sflag:s4] =	ssyncadd.s32 $0xFFFFFF80  }
0x3e: {  	[tilespmem:s6], [sflag:$0x2] =	stream.linear.gather [hbm4b:s5+s2], $0x80, $0x38;
	[tilespmem:$0x400] =	vst v63  }
0x3f: {  	_ =	swait.ge [sflag:s4], $0x80  }
0x40: {  	[sflag:s4] =	ssyncset.done $0x0  }
0x41: {  	[sflag:s4] =	ssyncadd.s32 $0xFFFFFF80  }
0x42: {  	[tilespmem:s8], [sflag:$0x2] =	stream.linear.gather [hbm4b:s7+s2], $0x80, $0x38;
	[tilespmem:$0x400] =	vst v63  }
0x43: {  	_ =	swait.ge [sflag:s4], $0x80  }
0x44: {  	[sflag:s4] =	ssyncset.done $0x0  }
0x45: {  	[sflag:s4] =	ssyncadd.s32 $0xFFFFFF80  }
0x46: {  	[tilespmem:s10], [sflag:$0x2] =	stream.linear.gather [hbm4b:s9+s2], $0x80, $0x38;
	[tilespmem:$0x400] =	vst v63  }
0x47: {  	_ =	swait.ge [sflag:s4], $0x80  }
0x48: {  	[sflag:s4] =	ssyncset.done $0x0  }
0x49: {  	[sflag:s4] =	ssyncadd.s32 $0xFFFFFF80  }
0x4a: {  	[tilespmem:s12], [sflag:$0x2] =	stream.linear.gather [hbm4b:s11+s2], $0x80, $0x38;
	[tilespmem:$0x400] =	vst v63  }
0x4b: {  	_ =	swait.ge [sflag:s4], $0x80  }
0x4c: {  	[sflag:s4] =	ssyncset.done $0x0  }
0x4d: {  	[sflag:s4] =	ssyncadd.s32 $0xFFFFFF80  }
0x4e: {  	[tilespmem:s14], [sflag:$0x2] =	stream.linear.gather [hbm4b:s13+s2], $0x80, $0x38;
	[tilespmem:$0x400] =	vst v63  }
0x4f: {  	_ =	swait.ge [sflag:s4], $0x80  }
0x50: {  	[sflag:s4] =	ssyncset.done $0x0  }
0x51: {  	[sflag:s4] =	ssyncadd.s32 $0xFFFFFF80  }
0x52: {  	[tilespmem:s16], [sflag:$0x2] =	stream.linear.gather [hbm4b:s15+s2], $0x80, $0x38;
	[tilespmem:$0x400] =	vst v63  }
0x53: {  	_ =	swait.ge [sflag:s4], $0x80  }
0x54: {  	[sflag:s4] =	ssyncset.done $0x0  }
0x55: {  	[sflag:s4] =	ssyncadd.s32 $0xFFFFFF80  }
0x56: {  	[tilespmem:s18], [sflag:$0x2] =	stream.linear.gather [hbm4b:s17+s2], $0x80, $0x38;
	[tilespmem:$0x400] =	vst v63  }
0x57: {  	_ =	swait.ge [sflag:s4], $0x80  }
0x58: {  	[sflag:s4] =	ssyncset.done $0x0  }
0x59: {  	[sflag:s4] =	ssyncadd.s32 $0xFFFFFF80  }
0x5a: {  	[hbm4b:s19+s8] =	stream.indirect.scatter [tilespmem:s6], [sflag:$0x1], $0x1, s2, s8, $0xb8;
	[tilespmem:$0x400] =	vst v63  }
0x5b: {  	_ = 	snop  }
0x5c: {  	[hbm4b:s19+s8] =	stream.indirect.scatter [tilespmem:s10], [sflag:$0x1], $0x1, s8, s8, $0xb8;
	[tilespmem:$0x400] =	vst v63  }
0x5d: {  	_ = 	snop  }
0x5e: {  	[hbm4b:s19+s8] =	stream.indirect.scatter [tilespmem:s14], [sflag:$0x1], $0x1, s12, s8, $0xb8;
	[tilespmem:$0x400] =	vst v63  }
0x5f: {  	_ = 	snop  }
0x60: {  	[hbm4b:s19+s8] =	stream.indirect.scatter [tilespmem:s18], [sflag:$0x1], $0x1, s16, s8, $0xb8;
	[tilespmem:$0x400] =	vst v63  }
0x61: {  	_ =	swait.ge [sflag:s20], $0x80  }
0x62: {  	[sflag:s20] =	ssyncset.done $0x0  }
0x63: {  	[sflag:s20] =	ssyncadd.s32 $0xFFFFFF80  }
0x64: {  	_ =	swait.ge [sflag:s20], $0x80  }
0x65: {  	[sflag:s20] =	ssyncset.done $0x0  }
0x66: {  	[sflag:s20] =	ssyncadd.s32 $0xFFFFFF80  }
.Ltmp1:
0x67: {  	_ =	swait.ge [sflag:s20], $0x80;
	(pc) =	sbr.rel @p0 .LBB2_1-.Ltmp1, $4  }
0x68: {  	[sflag:s20] =	ssyncset.done $0x0  }
0x69: {  	[sflag:s20] =	ssyncadd.s32 $0xFFFFFF80  }
0x6a: {  	_ =	swait.ge [sflag:s20], $0x80  }
0x6b: {  	[sflag:s20] =	ssyncset.done $0x0  }
.LBB2_2:
0x6c: {  	[sflag:s20] =	ssyncadd.s32 $0xFFFFFF80  }
0x6d: {  	_ =	sfence.sel $0x180000  }
0x6e: {  	[bflag:$0x0] =	sbarrier.arrive $0xFFFF  }
0x6f: {  	p0 =	sne.s32 s1, $0x0;
	_ =	strace $0x90000047  }
0x70: {  	s0 =	sadd.s32 @!p0 $0x100000, s0;
	[bflag:$0x2] =	sbarrier.arrive $0xFFFF  }
0x71: {  	[sflag:s0] =	ssyncadd.tile.s32 @!p0 $0x1;
	_ =	shalt  }
.Lfunc_end2:
_tile_overlayer_lowered:
.L_overlay_start_2:
0x72: {  	(tag) =	ssettag $0x2  }
0x73: {  	s0 =	rddreg [dreg:$0x0];
	s2 =	stileid.u32  }
0x74: {  	s1 =	rddreg [dreg:$0x1];
	p0 =	sne.s32 s2, $0x0  }
0x75: {  	s3 =	rddreg [dreg:$0x2];
	[bflag:$0x3] =	sbarrier.arrive $0xFFFF;
	s2 =	simm.s32 @!p0 $0x1C02  }
0x76: {  	[timem:s3], [sflag:s2] =	dma.local @!p0 [hbm:s0], s1  }
0x77: {  	s0 =	simm.s32 @!p0 $0x2  }
0x78: {  	_ =	swait.ge @!p0 [sflag:s0], s1  }
0x79: {  	s1 =	ssub.s32 @!p0 $0x0, s1;
	[sflag:s0] =	ssyncset.done @!p0 $0x0  }
0x7a: {  	[sflag:s0] =	ssyncadd.s32 @!p0 s1  }
0x7b: {  	[bflag:$0x3] =	sbarrier.arrive $0xFFFF  }
0x7c: {  	_ =	shalt  }

// kernel: kernel.9.cloned.1.call-start
scs
__scs_entry_jumppad:
0x0: {  	(pc) =	sbr.rel $0x88, $3  }
0x1: {  	(tag) =	ssettag $0x0;
	lr =	simm.s32 $0x1  }
0x2: {  	[smem:$0x3F9C] =	sst lr;
	_ =	strace $0xD0000000  }
0x3: {  	_ = 	snop  }
0x4: {  	_ = 	snop  }
0x5: {  	_ = 	snop  }
0x6: {  	_ = 	snop  }
0x7: {  	_ = 	snop  }
__scs_overlays_trampoline_lowered:
0x8: {  	[smem:$0x3FAB] =	sst s0  }
0x9: {  	[smem:$0x3FAC] =	sst s1  }
0xa: {  	[smem:$0x3FAD] =	sst s2  }
0xb: {  	[smem:$0x3FAE] =	sst s3  }
0xc: {  	[smem:$0x3FAF] =	sst s4  }
0xd: {  	[smem:$0x3FB0] =	sst s5  }
0xe: {  	[smem:$0x3FB1] =	sst s6  }
0xf: {  	[smem:$0x3FB2] =	sst s7  }
0x10: {  	[smem:$0x3FB3] =	sst s8  }
0x11: {  	[smem:$0x3FB4] =	sst s9;
	s0 =	simm.s32 @!p0 $0x0  }
0x12: {  	s1 =	sld [smem:$0x3F9A];
	s0 =	simm.s32 @p0 $0x1  }
0x13: {  	[smem:$0x3FB5] =	sst s0;
	s0 =	simm.s32 @!p1 $0x0  }
0x14: {  	s2 =	sld [smem:$0x3F99];
	s0 =	simm.s32 @p1 $0x1  }
0x15: {  	[smem:$0x3FB6] =	sst s0;
	s0 =	simm.s32 @!p2 $0x0  }
0x16: {  	s3 =	sld [smem:$0x3FDB];
	s0 =	simm.s32 @p2 $0x1  }
0x17: {  	s4 =	simm.s32 $0x1BF5;
	[smem:$0x3FB8] =	sst s0  }
0x18: {  	s0 =	sld [smem:$0x3F9B];
	_ =	swait.ge [sflag:s4], $0x0  }
0x19: {  	s7 =	sld [smem:$0x3F9C]  }
0x1a: {  	s8 =	sadd.s32 $0xFFFFE003, lr  }
0x1b: {  	s9 =	sadd.s32 $0xFFFFFEF7, lr;
	s5 =	simm.s32 $0xFFFFFFFF;
	p2 =	slt.u32 s8, $0xFFFFF086  }
0x1c: {  	p1 =	slt.u32 s9, $0xF7A;
	s5 =	simm.s32 @!p2 $0x0  }
0x1d: {  	s5 =	simm.s32 @p1 $0x1;
	p0 =	seq.s32 s7, s2  }
0x1e: {  	s7 =	smul.u32 @!p0 $0xF7A, s2;
	p2 =	seq.s32 @!p0 s5, $0x0  }
0x1f: {  	s9 =	smul.u32 $0xF7A, s1;
	s8 =	simm.s32 @!p0 $0x1BF5;
	p2 =	por !p2, p0  }
0x20: {  	[sflag:s8] =	ssyncset.s32 @!p0 $0xFFFFF086;
	s6 =	sadd.s32 @!p0 s3, s7;
	s7 =	simm.s32 @!p0 $0x108  }
0x21: {  	s3 =	sadd.s32 s3, s9;
	s6 =	sadd.s32 @!p0 $0x88, s6;
	s7 =	simm.s32 @p2 $0x1082  }
0x22: {  	[simem:s7], [sflag:s8] =	dma.local @!p0 [hbm:s6], $0xF7A  }
0x23: {  	s9 =	sor.u32 $0xD0000000, s2;
	s6 =	simm.s32 $0x108;
	_ =	swait.ge @!p0 [sflag:s8], $0x0  }
0x24: {  	s3 =	sadd.s32 $0x88, s3;
	s6 =	simm.s32 @!p1 $0x1082;
	[sflag:s4] =	ssyncset.s32 $0xFFFFF086  }
0x25: {  	[simem:s6], [sflag:s4] =	dma.local [hbm:s3], $0xF7A  }
0x26: {  	[smem:$0x3F9C] =	sst s1;
	(tag) =	ssettag s2;
	_ =	strace s9  }
0x27: {  	s1 =	sld [smem:$0x3FAC]  }
0x28: {  	s2 =	sld [smem:$0x3FAD]  }
0x29: {  	s4 =	sld [smem:$0x3FAF]  }
0x2a: {  	p0 =	seq.s32 s5, $0x0;
	s5 =	sld [smem:$0x3FB0]  }
0x2b: {  	s6 =	sld [smem:$0x3FB1]  }
0x2c: {  	s7 =	sld [smem:$0x3FB2]  }
0x2d: {  	s3 =	simm.s32 $0x108;
	s8 =	sld [smem:$0x3FB3]  }
0x2e: {  	s3 =	simm.s32 @!p0 $0x1082;
	s9 =	sld [smem:$0x3FB4]  }
0x2f: {  	lr =	sadd.s32 s0, s3;
	s0 =	sld [smem:$0x3FAB]  }
0x30: {  	s3 =	sld [smem:$0x3FAE]  }
0x31: {  	[smem:$0x3FB7] =	sst s10  }
0x32: {  	s10 =	sld [smem:$0x3FB5];
	_ =	sdelay $0x3  }
0x33: {  	p0 =	seq.s32 s10, $0x1;
	s10 =	sld [smem:$0x3FB7];
	_ =	sdelay $0x3  }
0x34: {  	[smem:$0x3FB7] =	sst s10  }
0x35: {  	s10 =	sld [smem:$0x3FB6];
	_ =	sdelay $0x3  }
0x36: {  	p1 =	seq.s32 s10, $0x1;
	s10 =	sld [smem:$0x3FB7];
	_ =	sdelay $0x3  }
0x37: {  	[smem:$0x3FB7] =	sst s10  }
0x38: {  	s10 =	sld [smem:$0x3FB8]  }
0x39: {  	_ = 	snop;
	(pc) =	sbr.ind lr, $3  }
0x3a: {  	_ = 	snop  }
0x3b: {  	_ = 	snop  }
0x3c: {  	p2 =	seq.s32 s10, $0x1;
	s10 =	sld [smem:$0x3FB7]  }
0x3d: {  	_ =	shalt  }
0x3e: {  	_ =	shalt  }
0x3f: {  	_ =	shalt  }
0x40: {  	_ =	shalt  }
0x41: {  	_ =	shalt  }
0x42: {  	_ =	shalt  }
0x43: {  	_ =	shalt  }
0x44: {  	_ =	shalt  }
0x45: {  	_ =	shalt  }
0x46: {  	_ =	shalt  }
0x47: {  	_ =	shalt  }
0x48: {  	_ =	shalt  }
0x49: {  	_ =	shalt  }
0x4a: {  	_ =	shalt  }
0x4b: {  	_ =	shalt  }
0x4c: {  	_ =	shalt  }
0x4d: {  	_ =	shalt  }
0x4e: {  	_ =	shalt  }
0x4f: {  	_ =	shalt  }
0x50: {  	_ =	shalt  }
0x51: {  	_ =	shalt  }
0x52: {  	_ =	shalt  }
0x53: {  	_ =	shalt  }
0x54: {  	_ =	shalt  }
0x55: {  	_ =	shalt  }
0x56: {  	_ =	shalt  }
0x57: {  	_ =	shalt  }
0x58: {  	_ =	shalt  }
0x59: {  	_ =	shalt  }
0x5a: {  	_ =	shalt  }
0x5b: {  	_ =	shalt  }
0x5c: {  	_ =	shalt  }
0x5d: {  	_ =	shalt  }
0x5e: {  	_ =	shalt  }
0x5f: {  	_ =	shalt  }
0x60: {  	_ =	shalt  }
0x61: {  	_ =	shalt  }
0x62: {  	_ =	shalt  }
0x63: {  	_ =	shalt  }
0x64: {  	_ =	shalt  }
0x65: {  	_ =	shalt  }
0x66: {  	_ =	shalt  }
0x67: {  	_ =	shalt  }
0x68: {  	_ =	shalt  }
0x69: {  	_ =	shalt  }
0x6a: {  	_ =	shalt  }
0x6b: {  	_ =	shalt  }
0x6c: {  	_ =	shalt  }
0x6d: {  	_ =	shalt  }
0x6e: {  	_ =	shalt  }
0x6f: {  	_ =	shalt  }
0x70: {  	_ =	shalt  }
0x71: {  	_ =	shalt  }
0x72: {  	_ =	shalt  }
0x73: {  	_ =	shalt  }
0x74: {  	_ =	shalt  }
0x75: {  	_ =	shalt  }
0x76: {  	_ =	shalt  }
0x77: {  	_ =	shalt  }
0x78: {  	_ =	shalt  }
0x79: {  	_ =	shalt  }
0x7a: {  	_ =	shalt  }
0x7b: {  	_ =	shalt  }
0x7c: {  	_ =	shalt  }
0x7d: {  	_ =	shalt  }
0x7e: {  	_ =	shalt  }
0x7f: {  	_ =	shalt  }
0x80: {  	_ =	shalt  }
0x81: {  	_ =	shalt  }
0x82: {  	_ =	shalt  }
0x83: {  	_ =	shalt  }
0x84: {  	_ =	shalt  }
0x85: {  	_ =	shalt  }
0x86: {  	_ =	shalt  }
0x87: {  	_ =	shalt  }
.Lfunc_end0:
.L_simem_size_0:
called_computation.1_lowered:
.L_overlay_start_0:
0x88: {  	s2 =	sld [smem:$0x3FD9]  }
0x89: {  	s3 =	sld [smem:$0x3FFE];
	_ =	sdelay $0x1  }
0x8a: {  	s1 =	srdreg.scid  }
0x8b: {  	s0 =	sand.u32 $0x1, s1  }
0x8c: {  	s17 =	sshll.u32 s0, $0xA;
	s2 =	sadd.s32 s3, s2  }
0x8d: {  	s2 =	sadd.s32 s2, s17  }
0x8e: {  	[smem:$0x3FC3] =	sst s2  }
0x8f: {  	_ = 	snop  }
0x90: {  	s2 =	sld [smem:$0x3FC6];
	(tm) =	ssettm $0x1  }
0x91: {  	s18 =	sld [smem:$0x3FFB];
	_ =	sdelay $0x3  }
0x92: {  	_ =	strace s18  }
0x93: {  	s3 =	sld [smem:$0x3FFC];
	_ =	sdelay $0x3  }
0x94: {  	_ =	strace s3  }
0x95: {  	s3 =	sld [smem:$0x3FFD];
	_ =	sdelay $0x3  }
0x96: {  	_ =	strace s3  }
0x97: {  	_ =	strace $0x8FFFFFFF  }
0x98: {  	s19 =	sld [smem:$0x3FDB];
	_ =	sdelay $0x1  }
0x99: {  	s4 =	simm.s32 $_scs_section_size  }
0x9a: {  	s5 =	simm.s32 $_size__tile_overlayer_lowered;
	s6 =	simm.s32 $_tile_overlayer_lowered  }
0x9b: {  	s22 =	simm.s32 $0x1BFF;
	s21 =	sshll.u32 s6, $0x1;
	s3 =	sadd.s32 s4, s19  }
0x9c: {  	s7 =	simm.s32 $0x0;
	s20 =	sshll.u32 s5, $0x1;
	s5 =	sadd.s32 s21, s3  }
0x9d: {  	[timem:s7], [sflag:s22] =	dma.local [hbm:s5], s20  }
0x9e: {  	_ =	swait.ge [sflag:s22], s20  }
0x9f: {  	s4 =	ssub.s32 $0x0, s20;
	[sflag:s22] =	ssyncset.done $0x0  }
0xa0: {  	[sflag:s22] =	ssyncadd.s32 s4;
	_ =	sdelay $0x1  }
0xa1: {  	s23 =	simm.s32 $0x1B8B  }
0xa2: {  	_ =	swait.ge [sflag:s23], $0x1  }
0xa3: {  	[sflag:s23] =	ssyncset.done $0x0  }
0xa4: {  	s25 =	simm.s32 $0x1B8E;
	s24 =	sld [smem:$0x3FFE];
	[sflag:s23] =	ssyncadd.s32 $0xFFFFFFFF  }
0xa5: {  	s26 =	simm.s32 $execute0_lowered;
	[smem:$0x3FD2] =	sst s25  }
0xa6: {  	s5 =	sshll.u32 s26, $0x1;
	_ =	strace $0x80000049;
	[dreg:$0x1] =	wrdreg $0xFFFFFFFF  }
0xa7: {  	s28 =	simm.s32 $_size_execute0_lowered;
	s3 =	sadd.s32 s3, s5;
	[dreg:$0x0] =	wrdreg $0x0  }
0xa8: {  	s5 =	sshll.u32 s28, $0x1;
	[dreg:$0x2] =	wrdreg s3  }
0xa9: {  	[dreg:$0x3] =	wrdreg s5  }
0xaa: {  	[dreg:$0x4] =	wrdreg $0xC0  }
0xab: {  	_ =	task [dreg:s7], $0x5FFFF  }
0xac: {  	[dreg:$0x1] =	wrdreg $0xFFFFFFFF  }
0xad: {  	[dreg:$0x0] =	wrdreg $0x60  }
0xae: {  	[dreg:$0x2] =	wrdreg s24  }
0xaf: {  	[dreg:$0x3] =	wrdreg s2  }
0xb0: {  	[dreg:$0x4] =	wrdreg $0x9  }
0xb1: {  	_ =	task.clear_ibuf [dreg:s7], $0x5FFFF;
	_ =	strace $0x90000049  }
0xb2: {  	s29 =	simm.s32 $0x9;
	_ =	strace $0x8000004B  }
0xb3: {  	_ =	swait.ge [sflag:s29], $0x1  }
0xb4: {  	[sflag:s29] =	ssyncadd.s32 $0xFFFFFFFF  }
0xb5: {  	_ =	strace $0x9000004B  }
0xb6: {  	_ =	sfence  }
0xb7: {  	s30 =	sld [smem:$0x0];
	_ =	sdelay $0x2  }
0xb8: {  	s31 =	sshll.u32 s1, $0xD;
	s1 =	sshrl.u32 s1, $0x2  }
0xb9: {  	s3 =	sand.u32 $0x4000, s31;
	s1 =	sadd.s32 s1, s30  }
0xba: {  	s0 =	sor.u32 s3, s0;
	s1 =	sshll.u32 s1, $0x11  }
0xbb: {  	s0 =	sor.u32 s1, s0  }
0xbc: {  	s0 =	sadd.s32 $0x8F2B, s0  }
0xbd: {  	[sflag:s0] =	ssyncadd.remote.s32 $0x1  }
0xbe: {  	_ =	sfence.sel $0xFFFF  }
0xbf: {  	[dreg:$0x0] =	wrdreg $0xFFFFFFFF;
	(pc) =	sbr.abs _section_cstart, $3  }
0xc0: {  	[dreg:$0x1] =	wrdreg $0xFFFFFFFF  }
0xc1: {  	_ =	task.clear_ibuf [dreg:s7], $0x2FFFF;
	_ =	strace $0x9FFFFFFF  }
0xc2: {  	(tm) =	ssettm $0x7FFFFFFF  }
0xc3: {  	_ =	shalt  }
tec
execute0_lowered:
.L_overlay_start_1:
0x0: {  	(tag) =	ssettag $0x1  }
0x1: {  	s6 =	rddreg [dreg:$0x0]  }
0x2: {  	s7 =	rddreg [dreg:$0x1]  }
0x3: {  	s0 =	rddreg [dreg:$0x2]  }
0x4: {  	s2 =	simm.s32 $0x0;
	s3 =	srdreg.scid;
	s1 =	stileid.u32  }
0x5: {  	s13 =	simm.s32 $0x3;
	s14 =	simm.s32 $0x200;
	s15 =	simm.s32 $0x800  }
0x6: {  	s16 =	simm.s32 $0x280;
	s17 =	simm.s32 $0x300;
	s18 =	simm.s32 $0x380  }
0x7: {  	s19 =	simm.s32 $0x80;
	s20 =	simm.s32 $0x400;
	s21 =	simm.s32 $0x480  }
0x8: {  	s22 =	simm.s32 $0x500;
	s23 =	simm.s32 $0x580;
	s24 =	simm.s32 $0x1  }
0x9: {  	s25 =	simm.s32 $0x2;
	s26 =	simm.s32 $0x600;
	[smem:$0x7FF] =	sst s2  }
0xa: {  	s8 =	sand.u32 $0x1, s3;
	s3 =	sadd.s32 $0x61000, s6;
	s9 =	sshll.u32 s1, $0xA  }
0xb: {  	s4 =	sadd.s32 $0x21000, s6;
	s5 =	sadd.s32 $0x2600, s6;
	s10 =	sshll.u32 s8, $0x9  }
0xc: {  	_ =	strace $0x8000004A;
	s8 =	ssub.s32 $0x2, s8;
	s9 =	sor.u32 s10, s9  }
0xd: {  	s31 =	sshrl.u32 s8, $0x1;
	s10 =	sshll.u32 s9, $0x4;
	s9 =	sshrl.u32 s9, $0x3  }
0xe: {  	s12 =	ssub.s32 s8, s31;
	s11 =	sadd.s32 s10, s6;
	s6 =	sadd.s32 s7, s9  }
0xf: {  	s12 =	smax.u32 s12, $0x1;
	s7 =	sadd.s32 $0x10, s6;
	s8 =	sadd.s32 $0x20, s6  }
0x10: {  	s9 =	sadd.s32 $0x30, s6;
	s10 =	sadd.s32 $0xFA3400, s11;
	s11 =	sadd.s32 $0xFE3400, s11  }
.LBB2_1:
0x11: {  	[tilespmem:s2], [sflag:$0x3] =	stream.linear.gather [hbm4b:s6+s2], $0x200, $0x38;
	[tilespmem:$0x10800] =	vst v63  }
0x12: {  	_ =	swait.ge [sflag:s13], $0x200  }
0x13: {  	[sflag:s13] =	ssyncset.done $0x0  }
0x14: {  	[sflag:s13] =	ssyncadd.s32 $0xFFFFFE00  }
0x15: {  	[tilespmem:s15], [sflag:$0x2] =	stream.indirect.gather [hbm4b:s3+s14], $0x80, s2, s14, $0xb8;
	[tilespmem:$0x10800] =	vst v63  }
0x16: {  	_ = 	snop  }
0x17: {  	[tilespmem:s14], [sflag:$0x3] =	stream.linear.gather [hbm4b:s6+s2], $0x80, $0x38;
	[tilespmem:$0x10800] =	vst v63  }
0x18: {  	_ =	swait.ge [sflag:s13], $0x80  }
0x19: {  	[sflag:s13] =	ssyncset.done $0x0  }
0x1a: {  	[sflag:s13] =	ssyncadd.s32 $0xFFFFFF80  }
0x1b: {  	[tilespmem:s16], [sflag:$0x3] =	stream.linear.gather [hbm4b:s7+s2], $0x80, $0x38;
	[tilespmem:$0x10800] =	vst v63  }
0x1c: {  	_ =	swait.ge [sflag:s13], $0x80  }
0x1d: {  	[sflag:s13] =	ssyncset.done $0x0  }
0x1e: {  	[sflag:s13] =	ssyncadd.s32 $0xFFFFFF80  }
0x1f: {  	[tilespmem:s17], [sflag:$0x3] =	stream.linear.gather [hbm4b:s8+s2], $0x80, $0x38;
	[tilespmem:$0x10800] =	vst v63  }
0x20: {  	_ =	swait.ge [sflag:s13], $0x80  }
0x21: {  	[sflag:s13] =	ssyncset.done $0x0  }
0x22: {  	[sflag:s13] =	ssyncadd.s32 $0xFFFFFF80  }
0x23: {  	[tilespmem:s18], [sflag:$0x3] =	stream.linear.gather [hbm4b:s9+s2], $0x80, $0x38;
	[tilespmem:$0x10800] =	vst v63  }
0x24: {  	_ =	swait.ge [sflag:s13], $0x80  }
0x25: {  	[sflag:s13] =	ssyncset.done $0x0  }
0x26: {  	[sflag:s13] =	ssyncadd.s32 $0xFFFFFF80  }
0x27: {  	[tilespmem:s20], [sflag:$0x1] =	stream.indirect.gather [hbm4b:s5+s19], $0x1, s14, s19, $0xb8;
	[tilespmem:$0x10800] =	vst v63  }
0x28: {  	_ = 	snop  }
0x29: {  	[tilespmem:s21], [sflag:$0x1] =	stream.indirect.gather [hbm4b:s5+s19], $0x1, s16, s19, $0xb8;
	[tilespmem:$0x10800] =	vst v63  }
0x2a: {  	_ = 	snop  }
0x2b: {  	[tilespmem:s22], [sflag:$0x1] =	stream.indirect.gather [hbm4b:s5+s19], $0x1, s17, s19, $0xb8;
	[tilespmem:$0x10800] =	vst v63  }
0x2c: {  	_ = 	snop  }
0x2d: {  	[tilespmem:s23], [sflag:$0x1] =	stream.indirect.gather [hbm4b:s5+s19], $0x1, s18, s19, $0xb8;
	[tilespmem:$0x10800] =	vst v63  }
0x2e: {  	_ =	swait.ge [sflag:s24], $0x80  }
0x2f: {  	[sflag:s24] =	ssyncset.done $0x0  }
0x30: {  	[sflag:s24] =	ssyncadd.s32 $0xFFFFFF80  }
0x31: {  	_ =	swait.ge [sflag:s24], $0x80  }
0x32: {  	[sflag:s24] =	ssyncset.done $0x0  }
0x33: {  	[sflag:s24] =	ssyncadd.s32 $0xFFFFFF80  }
0x34: {  	_ =	swait.ge [sflag:s24], $0x80  }
0x35: {  	[sflag:s24] =	ssyncset.done $0x0  }
0x36: {  	[sflag:s24] =	ssyncadd.s32 $0xFFFFFF80  }
0x37: {  	_ =	swait.ge [sflag:s24], $0x80  }
0x38: {  	[sflag:s24] =	ssyncset.done $0x0  }
0x39: {  	[sflag:s24] =	ssyncadd.s32 $0xFFFFFF80  }
0x3a: {  	v0 =	vld [tilespmem:$0x400]  }
0x3b: {  	v1 =	vld [tilespmem:$0x410]  }
0x3c: {  	v2 =	vld [tilespmem:$0x420]  }
0x3d: {  	v3 =	vld [tilespmem:$0x430]  }
0x3e: {  	v4 =	vld [tilespmem:$0x440]  }
0x3f: {  	v5 =	vld [tilespmem:$0x450];
	vm0 =	vgt.s32 v0, $0x0  }
0x40: {  	v6 =	vld [tilespmem:$0x460];
	vm9 =	vgt.s32 v1, $0x0;
	v0 =	vnsel vm0, $0x0, v0  }
0x41: {  	v7 =	vld [tilespmem:$0x470];
	vm10 =	vgt.s32 v2, $0x0;
	v1 =	vnsel vm9, $0x0, v1;
	v0 =	vmin.u32 v0, $0x3FFF  }
0x42: {  	v39 =	vld [tilespmem:$0x480];
	vm11 =	vgt.s32 v3, $0x0;
	v38 =	vnsel vm10, $0x0, v2;
	v37 =	vmin.u32 v1, $0x3FFF;
	[tilespmem:$0x600] =	vst v0  }
0x43: {  	v42 =	vld [tilespmem:$0x490];
	vm12 =	vgt.s32 v4, $0x0;
	v41 =	vnsel vm11, $0x0, v3;
	v40 =	vmin.u32 v38, $0x3FFF;
	[tilespmem:$0x610] =	vst v37  }
0x44: {  	v45 =	vld [tilespmem:$0x4A0];
	vm13 =	vgt.s32 v5, $0x0;
	v44 =	vnsel vm12, $0x0, v4;
	v43 =	vmin.u32 v41, $0x3FFF;
	[tilespmem:$0x620] =	vst v40  }
0x45: {  	v48 =	vld [tilespmem:$0x4B0];
	vm14 =	vgt.s32 v6, $0x0;
	v47 =	vnsel vm13, $0x0, v5;
	v46 =	vmin.u32 v44, $0x3FFF;
	[tilespmem:$0x630] =	vst v43  }
0x46: {  	v51 =	vld [tilespmem:$0x4C0];
	vm15 =	vgt.s32 v7, $0x0;
	v50 =	vnsel vm14, $0x0, v6;
	v49 =	vmin.u32 v47, $0x3FFF;
	[tilespmem:$0x640] =	vst v46  }
0x47: {  	v54 =	vld [tilespmem:$0x4D0];
	vm4 =	vgt.s32 v39, $0x0;
	v53 =	vnsel vm15, $0x0, v7;
	v52 =	vmin.u32 v50, $0x3FFF;
	[tilespmem:$0x650] =	vst v49  }
0x48: {  	v57 =	vld [tilespmem:$0x4E0];
	vm5 =	vgt.s32 v42, $0x0;
	v56 =	vnsel vm4, $0x0, v39;
	v55 =	vmin.u32 v53, $0x3FFF;
	[tilespmem:$0x660] =	vst v52  }
0x49: {  	v60 =	vld [tilespmem:$0x4F0];
	vm6 =	vgt.s32 v45, $0x0;
	v59 =	vnsel vm5, $0x0, v42;
	v58 =	vmin.u32 v56, $0x3FFF;
	[tilespmem:$0x670] =	vst v55  }
0x4a: {  	v63 =	vld [tilespmem:$0x500];
	vm7 =	vgt.s32 v48, $0x0;
	v62 =	vnsel vm6, $0x0, v45;
	v61 =	vmin.u32 v59, $0x3FFF;
	[tilespmem:$0x680] =	vst v58  }
0x4b: {  	v10 =	vld [tilespmem:$0x510];
	vm8 =	vgt.s32 v51, $0x0;
	v9 =	vnsel vm7, $0x0, v48;
	v8 =	vmin.u32 v62, $0x3FFF;
	[tilespmem:$0x690] =	vst v61  }
0x4c: {  	v13 =	vld [tilespmem:$0x520];
	v12 =	vnsel vm8, $0x0, v51;
	vm9 =	vgt.s32 v54, $0x0;
	v11 =	vmin.u32 v9, $0x3FFF;
	[tilespmem:$0x6A0] =	vst v8  }
0x4d: {  	v16 =	vld [tilespmem:$0x530];
	vm10 =	vgt.s32 v57, $0x0;
	v14 =	vmin.u32 v12, $0x3FFF;
	v15 =	vnsel vm9, $0x0, v54;
	[tilespmem:$0x6B0] =	vst v11  }
0x4e: {  	v19 =	vld [tilespmem:$0x540];
	vm11 =	vgt.s32 v60, $0x0;
	v18 =	vnsel vm10, $0x0, v57;
	[tilespmem:$0x6C0] =	vst v14;
	v17 =	vmin.u32 v15, $0x3FFF  }
0x4f: {  	v22 =	vld [tilespmem:$0x550];
	vm12 =	vgt.s32 v63, $0x0;
	v21 =	vnsel vm11, $0x0, v60;
	v20 =	vmin.u32 v18, $0x3FFF;
	[tilespmem:$0x6D0] =	vst v17  }
0x50: {  	v25 =	vld [tilespmem:$0x560];
	vm13 =	vgt.s32 v10, $0x0;
	v24 =	vnsel vm12, $0x0, v63;
	v23 =	vmin.u32 v21, $0x3FFF;
	[tilespmem:$0x6E0] =	vst v20  }
0x51: {  	v28 =	vld [tilespmem:$0x570];
	vm14 =	vgt.s32 v13, $0x0;
	v27 =	vnsel vm13, $0x0, v10;
	v26 =	vmin.u32 v24, $0x3FFF;
	[tilespmem:$0x6F0] =	vst v23  }
0x52: {  	v31 =	vld [tilespmem:$0x580];
	vm15 =	vgt.s32 v16, $0x0;
	v30 =	vnsel vm14, $0x0, v13;
	v29 =	vmin.u32 v27, $0x3FFF;
	[tilespmem:$0x700] =	vst v26  }
0x53: {  	v34 =	vld [tilespmem:$0x590];
	vm4 =	vgt.s32 v19, $0x0;
	v33 =	vnsel vm15, $0x0, v16;
	v32 =	vmin.u32 v30, $0x3FFF;
	[tilespmem:$0x710] =	vst v29  }
0x54: {  	vm5 =	vgt.s32 v22, $0x0;
	v36 =	vnsel vm4, $0x0, v19;
	v35 =	vmin.u32 v33, $0x3FFF;
	v37 =	vld [tilespmem:$0x5A0];
	[tilespmem:$0x720] =	vst v32  }
0x55: {  	vm6 =	vgt.s32 v25, $0x0;
	v39 =	vnsel vm5, $0x0, v22;
	v38 =	vmin.u32 v36, $0x3FFF;
	v40 =	vld [tilespmem:$0x5B0];
	[tilespmem:$0x730] =	vst v35  }
0x56: {  	vm7 =	vgt.s32 v28, $0x0;
	v42 =	vnsel vm6, $0x0, v25;
	v41 =	vmin.u32 v39, $0x3FFF;
	v43 =	vld [tilespmem:$0x5C0];
	[tilespmem:$0x740] =	vst v38  }
0x57: {  	vm8 =	vgt.s32 v31, $0x0;
	v45 =	vnsel vm7, $0x0, v28;
	v44 =	vmin.u32 v42, $0x3FFF;
	v46 =	vld [tilespmem:$0x5D0];
	[tilespmem:$0x750] =	vst v41  }
0x58: {  	v48 =	vnsel vm8, $0x0, v31;
	vm9 =	vgt.s32 v34, $0x0;
	v47 =	vmin.u32 v45, $0x3FFF;
	v49 =	vld [tilespmem:$0x5E0];
	[tilespmem:$0x760] =	vst v44  }
0x59: {  	v50 =	vmin.u32 v48, $0x3FFF;
	v51 =	vnsel vm9, $0x0, v34;
	v52 =	vld [tilespmem:$0x5F0];
	[tilespmem:$0x770] =	vst v47;
	vm10 =	vgt.s32 v37, $0x0  }
0x5a: {  	[tilespmem:$0x780] =	vst v50;
	v53 =	vmin.u32 v51, $0x3FFF;
	vm11 =	vgt.s32 v40, $0x0;
	v54 =	vnsel vm10, $0x0, v37  }
0x5b: {  	[tilespmem:$0x790] =	vst v53;
	vm12 =	vgt.s32 v43, $0x0;
	v56 =	vnsel vm11, $0x0, v40;
	v55 =	vmin.u32 v54, $0x3FFF  }
0x5c: {  	vm13 =	vgt.s32 v46, $0x0;
	v58 =	vnsel vm12, $0x0, v43;
	v57 =	vmin.u32 v56, $0x3FFF;
	[tilespmem:$0x7A0] =	vst v55  }
0x5d: {  	vm14 =	vgt.s32 v49, $0x0;
	v60 =	vnsel vm13, $0x0, v46;
	v59 =	vmin.u32 v58, $0x3FFF;
	[tilespmem:$0x7B0] =	vst v57  }
0x5e: {  	vm15 =	vgt.s32 v52, $0x0;
	v62 =	vnsel vm14, $0x0, v49;
	v61 =	vmin.u32 v60, $0x3FFF;
	[tilespmem:$0x7C0] =	vst v59  }
0x5f: {  	v63 =	vnsel vm15, $0x0, v52;
	v1 =	vmin.u32 v62, $0x3FFF;
	[tilespmem:$0x7D0] =	vst v61  }
0x60: {  	v0 =	vmin.u32 v63, $0x3FFF;
	[tilespmem:$0x7E0] =	vst v1  }
0x61: {  	[tilespmem:$0x7F0] =	vst v0  }
0x62: {  	_ =	swait.ge [sflag:s25], $0x10000  }
0x63: {  	[sflag:s25] =	ssyncset.done $0x0  }
0x64: {  	[sflag:s25] =	ssyncadd.s32 $0xFFFF0000  }
0x65: {  	[hbm4b:s10+s2] =	stream.linear.scatter [tilespmem:s15], [sflag:$0x3], $0x10000, $0x38;
	[tilespmem:$0x10800] =	vst v63  }
0x66: {  	_ =	swait.ge [sflag:s13], $0x10000  }
0x67: {  	[sflag:s13] =	ssyncset.done $0x0  }
0x68: {  	[sflag:s13] =	ssyncadd.s32 $0xFFFF0000  }
0x69: {  	[tilespmem:s15], [sflag:$0x2] =	stream.indirect.gather [hbm4b:s4+s14], $0x80, s26, s14, $0xb8;
	[tilespmem:$0x10800] =	vst v63  }
0x6a: {  	_ =	swait.ge [sflag:s25], $0x10000  }
0x6b: {  	p0 =	sne.s32 s12, $0x1;
	[sflag:s25] =	ssyncset.done $0x0  }
.Ltmp0:
0x6c: {  	[sflag:s25] =	ssyncadd.s32 $0xFFFF0000;
	(pc) =	sbr.rel @p0 .LBB2_1-.Ltmp0, $4  }
0x6d: {  	[hbm4b:s11+s2] =	stream.linear.scatter [tilespmem:s15], [sflag:$0x3], $0x10000, $0x38;
	[tilespmem:$0x10800] =	vst v63  }
0x6e: {  	_ =	swait.ge [sflag:s13], $0x10000  }
0x6f: {  	[sflag:s13] =	ssyncset.done $0x0  }
0x70: {  	s12 =	sadd.s32 $0xFFFFFFFF, s12;
	[sflag:s13] =	ssyncadd.s32 $0xFFFF0000  }
0x71: {  	_ =	sfence.sel $0x180000  }
0x72: {  	[bflag:$0x0] =	sbarrier.arrive $0xFFFF  }
0x73: {  	p0 =	sne.s32 s1, $0x0;
	_ =	strace $0x9000004A  }
0x74: {  	s0 =	sadd.s32 @!p0 $0x100000, s0;
	[bflag:$0x2] =	sbarrier.arrive $0xFFFF  }
0x75: {  	[sflag:s0] =	ssyncadd.tile.s32 @!p0 $0x1;
	_ =	shalt  }
.Lfunc_end2:
_tile_overlayer_lowered:
.L_overlay_start_2:
0x76: {  	(tag) =	ssettag $0x2  }
0x77: {  	s0 =	rddreg [dreg:$0x0];
	s2 =	stileid.u32  }
0x78: {  	s1 =	rddreg [dreg:$0x1];
	p0 =	sne.s32 s2, $0x0  }
0x79: {  	s3 =	rddreg [dreg:$0x2];
	[bflag:$0x3] =	sbarrier.arrive $0xFFFF;
	s2 =	simm.s32 @!p0 $0x1C03  }
0x7a: {  	[timem:s3], [sflag:s2] =	dma.local @!p0 [hbm:s0], s1  }
0x7b: {  	s0 =	simm.s32 @!p0 $0x3  }
0x7c: {  	_ =	swait.ge @!p0 [sflag:s0], s1  }
0x7d: {  	s1 =	ssub.s32 @!p0 $0x0, s1;
	[sflag:s0] =	ssyncset.done @!p0 $0x0  }
0x7e: {  	[sflag:s0] =	ssyncadd.s32 @!p0 s1  }
0x7f: {  	[bflag:$0x3] =	sbarrier.arrive $0xFFFF  }
0x80: {  	_ =	shalt  }

</sc_bundles>
